<compile_context>
chip_gen: v7x
topology: tpu7x:2x2x1
jax: 0.10.2.dev20260603
libtpu: 0.0.44.dev20260713+nightly
codegen_flags: <defaults>
</compile_context>

<pallas_src>
import functools
import math

import jax
import jax.numpy as jnp
from jax import lax
from jax.experimental import pallas as pl
from jax.experimental.pallas import tpu as pltpu
from jax.experimental.pallas import tpu_sc as plsc

_NC = 2
_NS = 16
_NW = _NC * _NS
_CHUNK = 128


def _embed(table, ids_flat):
    n, d = ids_flat.shape[0], table.shape[1]
    per_w = n // _NW
    nchunk = per_w // _CHUNK
    ids2 = ids_flat.reshape(_NW, nchunk, _CHUNK)
    mesh = plsc.VectorSubcoreMesh(core_axis_name="c", subcore_axis_name="s")

    @functools.partial(
        pl.kernel,
        mesh=mesh,
        out_type=jax.ShapeDtypeStruct((n, d), jnp.float32),
        scratch_types=[
            pltpu.VMEM((nchunk, _CHUNK), jnp.int32),
            pltpu.VMEM((_CHUNK, d), jnp.float32),
            pltpu.SemaphoreType.DMA,
        ],
    )
    def gather_kernel(table_hbm, ids_hbm, out_hbm, idx_v, rows_v, sem):
        wid = lax.axis_index("s") * _NC + lax.axis_index("c")
        pltpu.sync_copy(ids_hbm.at[wid], idx_v)

        def body(c, carry):
            pltpu.async_copy(table_hbm.at[idx_v.at[c]], rows_v, sem).wait()
            pltpu.sync_copy(
                rows_v, out_hbm.at[pl.ds(wid * per_w + c * _CHUNK, _CHUNK)])
            return carry

        lax.fori_loop(0, nchunk, body, 0)

    return gather_kernel(table, ids2)


_TD = (((1,), (1,)), ((), ()))
_ND = (((1,), (0,)), ((), ()))
_CD = (((0,), (0,)), ((), ()))


def _dot(a, b, dims):
    return lax.dot_general(a, b, dims, preferred_element_type=jnp.float32)


def _hilo(x):
    hi = x.astype(jnp.bfloat16)
    lo = (x - hi.astype(jnp.float32)).astype(jnp.bfloat16)
    return jnp.concatenate([hi, lo], axis=1)


def _ln(x, g, b):
    d = x.shape[-1]
    if x.shape[0] >= 64:
        ones = jnp.ones((2 * d, 1), jnp.bfloat16)
        m = _dot(_hilo(x), ones, _ND) * (1.0 / d)
        v = _dot(_hilo(x * x), ones, _ND) * (1.0 / d) - m * m
    else:
        ones = jnp.ones((d, 1), jnp.float32)
        m = _dot(x, ones, _ND) * (1.0 / d)
        v = _dot(x * x, ones, _ND) * (1.0 / d) - m * m
    return (x - m) * lax.rsqrt(v + 1e-8) * g + b


def _erf(x):
    a1, a2, a3, a4, a5 = (0.254829592, -0.284496736, 1.421413741,
                          -1.453152027, 1.061405429)
    p = 0.3275911
    s = jnp.sign(x)
    ax = jnp.abs(x)
    t = 1.0 / (1.0 + p * ax)
    y = 1.0 - (((((a5 * t + a4) * t) + a3) * t + a2) * t + a1) * t * jnp.exp(-ax * ax)
    return s * y


def _gelu(x):
    return x * 0.5 * (1.0 + _erf(x * (1.0 / math.sqrt(2.0))))


_BB = 16


def _transformer_body(T, D, NH,
                      lens_ref,
                      seq_ref, pos_ref, keep_ref, klast_ref, qm_ref,
                      cmask_ref, rep_ref,
                      wq_ref, bq_ref, wkve_ref, bkve_ref, wkv2_ref, bkv2_ref,
                      wo_ref, bo_ref,
                      ln1g_ref, ln1b_ref, ln2g_ref, ln2b_ref,
                      w1_ref, b1_ref, w2_ref, b2_ref,
                      lnfg_ref, lnfb_ref,
                      out_ref, o1_ref, s1_ref):
    DH = D // NH
    bf = jnp.bfloat16
    keep = keep_ref[...]
    x = (seq_ref[...] + pos_ref[...]) * keep

    qn = _ln(x, ln1g_ref[0], ln1b_ref[0])
    q = (_dot(qn.astype(bf), wq_ref[0], _TD) + bq_ref[0]).astype(bf)
    kv = (_dot(x.astype(bf), wkve_ref[...], _TD) + bkve_ref[...]).astype(bf)
    cmask = cmask_ref[...]
    ones_t = jnp.ones((T, 1), bf)
    for b in range(_BB):
        r0 = b * T
        o_acc = None
        for h in range(NH):
            c0 = h * D
            s = _dot(q[r0:r0 + T], kv[r0:r0 + T, c0:c0 + D], _TD)
            e = (jnp.exp2(s) * cmask).astype(bf)
            ns = _dot(e, ones_t, _ND)
            ou = _dot(e, kv[r0:r0 + T, NH * D + c0:NH * D + c0 + D], _ND)
            part = ou * (1.0 / ns)
            o_acc = part if h == 0 else o_acc + part
        o1_ref[r0:r0 + T, :] = o_acc.astype(bf)
    mha = _dot(o1_ref[...], wo_ref[0], _TD) + bo_ref[0]
    x1 = qn + mha
    x1 = _ln(x1, ln2g_ref[0], ln2b_ref[0])
    y = jnp.maximum(_dot(x1.astype(bf), w1_ref[0], _TD) + b1_ref[0], 0.0)
    y = _dot(y.astype(bf), w2_ref[0], _TD) + b2_ref[0]
    s1 = (y + x1) * keep

    s1_ref[...] = s1
    kv2 = (_dot(s1.astype(bf), wkv2_ref[...], _TD) + bkv2_ref[...]).astype(bf)
    i = pl.program_id(0)
    x_last = jnp.concatenate(
        [s1_ref[pl.ds(b * T + lens_ref[i * _BB + b] - 1, 1), :]
         for b in range(_BB)], axis=0)
    qn2 = _ln(x_last, ln1g_ref[1], ln1b_ref[1])
    q2 = _dot(qn2.astype(bf), wq_ref[1], _TD) + bq_ref[1]
    R = _BB * T
    rep = rep_ref[...]
    sel = (lax.broadcasted_iota(jnp.int32, (D, NH), 0) // DH
           == lax.broadcasted_iota(jnp.int32, (D, NH), 1)).astype(bf)
    q2e = _dot(rep, q2.astype(bf), _ND)
    prod = kv2[:, 0:D] * q2e.astype(bf)
    s2a = _dot(prod, sel, _ND)
    e2 = (jnp.exp2(s2a) * qm_ref[...]).astype(bf)
    ssum = _dot(rep, e2, _CD)
    p2 = e2 * _dot(rep, (1.0 / ssum).astype(bf), _ND).astype(bf)
    p2e = _dot(p2, sel, _TD)
    w2v = kv2[:, D:2 * D] * p2e.astype(bf)
    o2 = _dot(rep, w2v, _CD)
    mha2 = _dot(o2.astype(bf), wo_ref[1], _TD) + bo_ref[1]
    x2 = qn2 + mha2
    x2 = _ln(x2, ln2g_ref[1], ln2b_ref[1])
    y2 = jnp.maximum(_dot(x2.astype(bf), w1_ref[1], _TD) + b1_ref[1], 0.0)
    y2 = _dot(y2.astype(bf), w2_ref[1], _TD) + b2_ref[1]
    s2 = y2 + x2
    s2 = s2 * klast_ref[...]
    out_ref[...] = _ln(s2, lnfg_ref[...], lnfb_ref[...])


def _transformer(seqs, pos_t, keep2, klast, qm, lengths,
                 wqkv, bqkv, wo, bo, ln1_g, ln1_b, ln2_g, ln2_b,
                 w1, b1, w2, b2, lnf_g, lnf_b, B, T, D, NH):
    NB = wqkv.shape[0]
    R = _BB * T
    grid = (B // _BB,)
    full = lambda *shape: pl.BlockSpec(shape, lambda i, *_: (0,) * len(shape))
    blk = lambda *shape: pl.BlockSpec(shape, lambda i, *_: (i,) + (0,) * (len(shape) - 1))
    call = pl.pallas_call(
        functools.partial(_transformer_body, T, D, NH),
        grid_spec=pltpu.PrefetchScalarGridSpec(
            num_scalar_prefetch=1,
            grid=grid,
            in_specs=[
                blk(R, D),
                full(R, D),
                blk(R, 1),
                blk(_BB, 1),
                blk(R, 1),
                full(T, T),
                full(R, _BB),
                full(NB, D, D), full(NB, D),
                full(2 * NH * D, D), full(2 * NH * D),
                full(2 * D, D), full(2 * D),
                full(NB, D, D), full(NB, D),
                full(NB, D), full(NB, D), full(NB, D), full(NB, D),
                full(NB, D, D), full(NB, D), full(NB, D, D), full(NB, D),
                full(D), full(D),
            ],
            out_specs=pl.BlockSpec((_BB, D), lambda i, *_: (i, 0)),
            scratch_shapes=[
                pltpu.VMEM((R, D), jnp.bfloat16),
                pltpu.VMEM((R, D), jnp.float32),
            ],
        ),
        out_shape=jax.ShapeDtypeStruct((B, D), jnp.float32),
    )
    bf = jnp.bfloat16
    DH = D // NH
    scale = math.log2(math.e) / math.sqrt(DH)
    wq_s = wqkv[:, 0:D] * scale
    bq_s = bqkv[:, 0:D] * scale
    zpad = jnp.zeros((DH, D), jnp.float32)
    wk1 = wqkv[0, D:2 * D] * math.sqrt(float(D))
    wv1 = wqkv[0, 2 * D:3 * D] * math.sqrt(float(D))
    zb = jnp.zeros((DH,), jnp.float32)
    wkve = jnp.concatenate([
        wk1[0:DH], zpad, zpad, wk1[DH:D],
        wv1[0:DH], zpad, zpad, wv1[DH:D]], axis=0)
    bk1, bv1 = bqkv[0, D:2 * D], bqkv[0, 2 * D:3 * D]
    bkve = jnp.concatenate([
        bk1[0:DH], zb, zb, bk1[DH:D],
        bv1[0:DH], zb, zb, bv1[DH:D]], axis=0)
    tt = jnp.arange(T, dtype=jnp.int32)
    cmask = (tt[None, :] <= tt[:, None]).astype(bf)
    rep = (jnp.arange(R, dtype=jnp.int32)[:, None] // T
           == jnp.arange(_BB, dtype=jnp.int32)[None, :]).astype(bf)
    return call(lengths, seqs, pos_t, keep2, klast, qm, cmask, rep,
                wq_s.astype(bf), bq_s,
                wkve.astype(bf), bkve,
                wqkv[1, D:3 * D].astype(bf), bqkv[1, D:3 * D],
                wo.astype(bf), bo,
                ln1_g, ln1_b, ln2_g, ln2_b,
                w1.astype(bf), b1, w2.astype(bf), b2,
                lnf_g, lnf_b)


def _adapter_body(K, BOT, D,
                  h_ref, cl_ref, adw_ref, adb_ref, auw_ref, aub_ref, out_ref):
    h = h_ref[...]
    cl = cl_ref[...]
    z = _dot(cl, adb_ref[...], _ND)
    for k in range(K):
        zk = _dot(h, adw_ref[k * BOT:(k + 1) * BOT, :], _TD)
        z = z + cl[:, k:k + 1] * zk
    a = _gelu(z)
    delta = _dot(cl, aub_ref[...], _ND)
    for k in range(K):
        dk = _dot(a, auw_ref[k * D:(k + 1) * D, :], _TD)
        delta = delta + cl[:, k:k + 1] * dk
    out_ref[...] = (h + delta).astype(jnp.bfloat16)


def _adapter(h_last, cl_oh, adw2, adb, auw2, aub, B, K, BOT, D):
    return pl.pallas_call(
        functools.partial(_adapter_body, K, BOT, D),
        out_shape=jax.ShapeDtypeStruct((B, D), jnp.bfloat16),
    )(h_last, cl_oh, adw2, adb, auw2, aub)


_NV = 2048


def _score_body(h_ref, emb_ref, out_ref):
    out_ref[...] = _dot(h_ref[...], emb_ref[...].astype(jnp.bfloat16), _TD)


def _score(h_tilde, item_emb, B, D):
    Vp1 = item_emb.shape[0]
    gv = (Vp1 + _NV - 1) // _NV
    return pl.pallas_call(
        _score_body,
        grid=(gv,),
        in_specs=[
            pl.BlockSpec((B, D), lambda j: (0, 0)),
            pl.BlockSpec((_NV, D), lambda j: (j, 0)),
        ],
        out_specs=pl.BlockSpec((B, _NV), lambda j: (0, j)),
        out_shape=jax.ShapeDtypeStruct((B, Vp1), jnp.float32),
    )(h_tilde, item_emb)


def kernel(input_ids, cluster_ids, item_emb, pos_emb, ln1_g, ln1_b, wqkv,
           bqkv, wo, bo, ln2_g, ln2_b, w1, b1, w2, b2, lnf_g, lnf_b, adw,
           adb, auw, aub):
    B, T = input_ids.shape
    D = item_emb.shape[1]
    NH = 2
    K, BOT, _ = adw.shape

    ids = input_ids.astype(jnp.int32)
    seqs = _embed(item_emb, ids.reshape(-1))

    keep_f = (ids != 0).astype(jnp.float32)
    lengths = jnp.clip(jnp.sum(ids != 0, axis=1), 1, None).astype(jnp.int32)
    t_iota = jnp.arange(T, dtype=jnp.int32)
    klast = jnp.take_along_axis(keep_f, (lengths - 1)[:, None], axis=1)
    qm = (t_iota[None, :] < lengths[:, None]).astype(jnp.float32).reshape(B * T, 1)
    keep2 = keep_f.reshape(B * T, 1)
    pos_t = jnp.tile(pos_emb * (1.0 / math.sqrt(float(D))), (_BB, 1))

    h_last = _transformer(seqs, pos_t, keep2, klast, qm, lengths,
                          wqkv, bqkv, wo, bo, ln1_g, ln1_b, ln2_g, ln2_b,
                          w1, b1, w2, b2, lnf_g, lnf_b, B, T, D, NH)

    cl_oh = (cluster_ids[:, None] == jnp.arange(K)[None, :]).astype(jnp.float32)
    h_tilde = _adapter(h_last, cl_oh, adw.reshape(K * BOT, D), adb,
                       auw.reshape(K * D, BOT), aub, B, K, BOT, D)

    return _score(h_tilde, item_emb, B, D)

# --- scband reference (transcript-rebuilt; emitter-appended) ---
"""Pipeline reference for scband-sasrec-prototype-adaptation-model-46720654246147 (READ-ONLY COPY).

The authoritative reference and input builder live on the scoring server;
editing this copy changes nothing except your own understanding.
"""

import jax, jax.numpy as jnp
import numpy as np

B = 1024
T = 200
D = 128
NH = 2
NB = 2
V = 100000
K = 8
BOT = 32


def _ln(x, g, b, eps=1e-8):
    m = jnp.mean(x, axis=-1, keepdims=True)
    v = jnp.mean((x - m) ** 2, axis=-1, keepdims=True)
    return (x - m) / jnp.sqrt(v + eps) * g + b


def _forward(input_ids, cluster_ids, item_emb, pos_emb, ln1_g, ln1_b, wqkv, bqkv, wo, bo, ln2_g, ln2_b, w1, b1, w2, b2, lnf_g, lnf_b, adw, adb, auw, aub):
    Bq, Tq = input_ids.shape
    d = item_emb.shape[1]
    nh = NH
    dh = d // nh
    # SASRec embedding
    seqs = item_emb[input_ids] * jnp.sqrt(jnp.float32(d))
    seqs = seqs + pos_emb[jnp.arange(Tq)][None, :, :]
    timeline = (input_ids == 0)
    keep = (~timeline)[:, :, None].astype(seqs.dtype)
    seqs = seqs * keep
    causal = ~jnp.tril(jnp.ones((Tq, Tq), dtype=bool))
    nb = ln1_g.shape[0]
    for i in range(nb):
        Q = _ln(seqs, ln1_g[i], ln1_b[i])
        wq = wqkv[i][:d]; wk = wqkv[i][d:2 * d]; wv = wqkv[i][2 * d:]
        bq = bqkv[i][:d]; bk = bqkv[i][d:2 * d]; bv = bqkv[i][2 * d:]
        q = Q @ wq.T + bq
        k = seqs @ wk.T + bk
        v = seqs @ wv.T + bv
        q = q.reshape(Bq, Tq, nh, dh).transpose(0, 2, 1, 3)
        k = k.reshape(Bq, Tq, nh, dh).transpose(0, 2, 1, 3)
        v = v.reshape(Bq, Tq, nh, dh).transpose(0, 2, 1, 3)
        scores = jnp.einsum('bhqd,bhkd->bhqk', q, k) / jnp.sqrt(jnp.float32(dh))
        scores = jnp.where(causal[None, None], -1e30, scores)
        attn = jax.nn.softmax(scores, axis=-1)
        o = jnp.einsum('bhqk,bhkd->bhqd', attn, v)
        o = o.transpose(0, 2, 1, 3).reshape(Bq, Tq, d)
        mha_out = o @ wo[i].T + bo[i]
        seqs = Q + mha_out
        seqs = _ln(seqs, ln2_g[i], ln2_b[i])
        y = jax.nn.relu(seqs @ w1[i].T + b1[i])
        y = y @ w2[i].T + b2[i]
        seqs = y + seqs
        seqs = seqs * keep
    hidden = _ln(seqs, lnf_g, lnf_b)
    # last valid hidden state
    lengths = jnp.clip(jnp.sum((input_ids != 0).astype(jnp.int32), axis=1), 1, None)
    h_last = hidden[jnp.arange(Bq), lengths - 1]
    # prototype residual adapter bank (expert dispatch by cluster_id)
    wd = adw[cluster_ids]
    bd = adb[cluster_ids]
    wu = auw[cluster_ids]
    bu = aub[cluster_ids]
    z = jnp.einsum('bod,bd->bo', wd, h_last) + bd
    a = jax.nn.gelu(z, approximate=False)
    delta = jnp.einsum('bdo,bo->bd', wu, a) + bu
    h_tilde = h_last + delta
    # full-vocab scoring head (tied item embeddings)
    logits = h_tilde @ item_emb.T
    return logits


def setup_inputs(seed: int = 0) -> dict:
    key = jax.random.key(seed)
    ks = jax.random.split(key, 12)
    std = 0.02
    input_ids = jax.random.randint(ks[0], (B, T), 0, V + 1)
    cluster_ids = jax.random.randint(ks[1], (B,), 0, K)
    item_emb = jax.random.normal(ks[2], (V + 1, D), dtype=jnp.float32) * std
    item_emb = item_emb.at[0].set(0.0)
    pos_emb = jax.random.normal(ks[3], (T, D), dtype=jnp.float32) * std
    ln1_g = jnp.ones((NB, D), jnp.float32); ln1_b = jnp.zeros((NB, D), jnp.float32)
    wqkv = jax.random.normal(ks[4], (NB, 3 * D, D), dtype=jnp.float32) * std
    bqkv = jnp.zeros((NB, 3 * D), jnp.float32)
    wo = jax.random.normal(ks[5], (NB, D, D), dtype=jnp.float32) * std
    bo = jnp.zeros((NB, D), jnp.float32)
    ln2_g = jnp.ones((NB, D), jnp.float32); ln2_b = jnp.zeros((NB, D), jnp.float32)
    w1 = jax.random.normal(ks[6], (NB, D, D), dtype=jnp.float32) * std
    b1 = jnp.zeros((NB, D), jnp.float32)
    w2 = jax.random.normal(ks[7], (NB, D, D), dtype=jnp.float32) * std
    b2 = jnp.zeros((NB, D), jnp.float32)
    lnf_g = jnp.ones((D,), jnp.float32); lnf_b = jnp.zeros((D,), jnp.float32)
    adw = jax.random.normal(ks[8], (K, BOT, D), dtype=jnp.float32) * std
    adb = jnp.zeros((K, BOT), jnp.float32)
    auw = jax.random.normal(ks[9], (K, D, BOT), dtype=jnp.float32) * std
    aub = jnp.zeros((K, D), jnp.float32)
    return dict(input_ids=input_ids, cluster_ids=cluster_ids, item_emb=item_emb, pos_emb=pos_emb, ln1_g=ln1_g, ln1_b=ln1_b, wqkv=wqkv, bqkv=bqkv, wo=wo, bo=bo, ln2_g=ln2_g, ln2_b=ln2_b, w1=w1, b1=b1, w2=w2, b2=b2, lnf_g=lnf_g, lnf_b=lnf_b, adw=adw, adb=adb, auw=auw, aub=aub)


def reference(input_ids, cluster_ids, item_emb, pos_emb, ln1_g, ln1_b, wqkv, bqkv, wo, bo, ln2_g, ln2_b, w1, b1, w2, b2, lnf_g, lnf_b, adw, adb, auw, aub):
    return _forward(input_ids, cluster_ids, item_emb, pos_emb, ln1_g, ln1_b, wqkv, bqkv, wo, bo, ln2_g, ln2_b, w1, b1, w2, b2, lnf_g, lnf_b, adw, adb, auw, aub)

if __name__ == "__main__":
    import jax
    _d = setup_inputs()
    print(jax.jit(kernel)(*tuple(_d.values())))

</pallas_src>

<mosaic_0001>
#map = affine_map<(d0, d1) -> (0, 0)>
#map1 = affine_map<(d0, d1) -> (0, 0, 0)>
module attributes {stable_mosaic.version = 14 : i64} {
  func.func @gather_kernel(%arg0: i32, %arg1: i32, %arg2: memref<100001x128xf32, #tpu.memory_space<hbm>>, %arg3: memref<32x50x128xi32, #tpu.memory_space<hbm>>, %arg4: memref<204800x128xf32, #tpu.memory_space<hbm>>, %arg5: memref<50x128xi32, #tpu.memory_space<vmem>>, %arg6: memref<128x128xf32, #tpu.memory_space<vmem>>, %arg7: memref<!tpu.dma_semaphore, #tpu.memory_space<semaphore_mem>>) attributes {dimension_semantics = [#tpu.dimension_semantics<core_parallel>, #tpu.dimension_semantics<subcore_parallel>], iteration_bounds = array<i64: 2, 16>, scalar_prefetch = 0 : i64, scratch_operands = 3 : i64, tpu.core_type = #tpu.core_type<sc_vector_subcore>, window_params = [{transform_indices = #map}, {transform_indices = #map1}, {transform_indices = #map}]} {
    %mul3A = arith.constant 2 : i32
    %mul3A_0 = arith.muli %arg1, %mul3A : i32
    %add3A = arith.addi %mul3A_0, %arg0 : i32
    "tpu.region"() ({
      %run_scoped3A = tpu.sem_alloc : memref<!tpu.dma_semaphore, #tpu.memory_space<semaphore_mem>>
      %dma_start3A = arith.constant 0 : i32
      %dma_start3A_6 = arith.constant 0 : i32
      %dma_start3A_7 = tpu.memref_slice %arg3[%add3A, %dma_start3A, %dma_start3A_6] : memref<32x50x128xi32, #tpu.memory_space<hbm>> -> memref<1x50x128xi32, #tpu.memory_space<hbm>>
      %dma_start3A_8 = tpu.memref_squeeze %dma_start3A_7 : memref<1x50x128xi32, #tpu.memory_space<hbm>> -> memref<50x128xi32, #tpu.memory_space<hbm>>
      %dma_start3A_9 = arith.constant 0 : i32
      %dma_start3A_10 = arith.constant 0 : i32
      %dma_start3A_11 = tpu.memref_slice %arg3[%add3A, %dma_start3A_9, %dma_start3A_10] : memref<32x50x128xi32, #tpu.memory_space<hbm>> -> memref<1x50x128xi32, #tpu.memory_space<hbm>>
      %dma_start3A_12 = tpu.memref_squeeze %dma_start3A_11 : memref<1x50x128xi32, #tpu.memory_space<hbm>> -> memref<50x128xi32, #tpu.memory_space<hbm>>
      tpu.enqueue_dma source(%dma_start3A_12 : memref<50x128xi32, #tpu.memory_space<hbm>>) target(%arg5 : memref<50x128xi32, #tpu.memory_space<vmem>>) target_semaphore(%run_scoped3A : memref<!tpu.dma_semaphore, #tpu.memory_space<semaphore_mem>>)
      %dma_wait3A = arith.constant 0 : i32
      %dma_wait3A_13 = arith.constant 0 : i32
      %dma_wait3A_14 = tpu.memref_slice %arg3[%add3A, %dma_wait3A, %dma_wait3A_13] : memref<32x50x128xi32, #tpu.memory_space<hbm>> -> memref<1x50x128xi32, #tpu.memory_space<hbm>>
      %dma_wait3A_15 = tpu.memref_squeeze %dma_wait3A_14 : memref<1x50x128xi32, #tpu.memory_space<hbm>> -> memref<50x128xi32, #tpu.memory_space<hbm>>
      %dma_wait3A_16 = arith.constant 0 : i32
      %dma_wait3A_17 = arith.constant 0 : i32
      %dma_wait3A_18 = tpu.memref_slice %arg3[%add3A, %dma_wait3A_16, %dma_wait3A_17] : memref<32x50x128xi32, #tpu.memory_space<hbm>> -> memref<1x50x128xi32, #tpu.memory_space<hbm>>
      %dma_wait3A_19 = tpu.memref_squeeze %dma_wait3A_18 : memref<1x50x128xi32, #tpu.memory_space<hbm>> -> memref<50x128xi32, #tpu.memory_space<hbm>>
      tpu.wait_dma2 semaphore(%run_scoped3A : memref<!tpu.dma_semaphore, #tpu.memory_space<semaphore_mem>>) src(%dma_wait3A_19 : memref<50x128xi32, #tpu.memory_space<hbm>>) dst(%arg5 : memref<50x128xi32, #tpu.memory_space<vmem>>)
      tpu.yield
    }) : () -> ()
    %scan3A = arith.constant 0 : i32
    %scan3A_1 = arith.constant 0 : i32
    %scan3A_2 = arith.constant 50 : i32
    %scan3A_3 = arith.addi %scan3A_1, %scan3A_2 : i32
    %scan3A_4 = arith.constant 1 : i32
    scf.for %scan3A_6 = %scan3A_1 to %scan3A_3 step %scan3A_4  : i32 {
      %dma_start3A = arith.constant 0 : i32
      %dma_start3A_7 = tpu.memref_slice %arg5[%scan3A_6, %dma_start3A] : memref<50x128xi32, #tpu.memory_space<vmem>> -> memref<1x128xi32, #tpu.memory_space<vmem>>
      %dma_start3A_8 = tpu.memref_squeeze %dma_start3A_7 : memref<1x128xi32, #tpu.memory_space<vmem>> -> memref<128xi32, #tpu.memory_space<vmem>>
      %dma_start3A_9 = arith.constant 0 : i32
      %dma_start3A_10 = arith.constant 0 : i32
      %dma_start3A_11 = tpu.memref_slice %arg2[%dma_start3A_9, %dma_start3A_10] : memref<100001x128xf32, #tpu.memory_space<hbm>> -> memref<100001x128xf32, #tpu.memory_space<hbm>>
      tpu.enqueue_indirect_dma source(%dma_start3A_11 : memref<100001x128xf32, #tpu.memory_space<hbm>>) target(%arg6 : memref<128x128xf32, #tpu.memory_space<vmem>>) offsets(%dma_start3A_8 : memref<128xi32, #tpu.memory_space<vmem>>) semaphore(%arg7 : memref<!tpu.dma_semaphore, #tpu.memory_space<semaphore_mem>>)
      %dma_wait3A = arith.constant 0 : i32
      %dma_wait3A_12 = tpu.memref_slice %arg5[%scan3A_6, %dma_wait3A] : memref<50x128xi32, #tpu.memory_space<vmem>> -> memref<1x128xi32, #tpu.memory_space<vmem>>
      %dma_wait3A_13 = tpu.memref_squeeze %dma_wait3A_12 : memref<1x128xi32, #tpu.memory_space<vmem>> -> memref<128xi32, #tpu.memory_space<vmem>>
      %dma_wait3A_14 = arith.constant 0 : i32
      %dma_wait3A_15 = arith.constant 0 : i32
      %dma_wait3A_16 = tpu.memref_slice %arg2[%dma_wait3A_14, %dma_wait3A_15] : memref<100001x128xf32, #tpu.memory_space<hbm>> -> memref<100001x128xf32, #tpu.memory_space<hbm>>
      tpu.wait_indirect_dma semaphore(%arg7 : memref<!tpu.dma_semaphore, #tpu.memory_space<semaphore_mem>>) src(%dma_wait3A_16 : memref<100001x128xf32, #tpu.memory_space<hbm>>) dst(%arg6 : memref<128x128xf32, #tpu.memory_space<vmem>>)
      %mul3A_17 = arith.constant 6400 : i32
      %mul3A_18 = arith.muli %add3A, %mul3A_17 : i32
      %mul3A_19 = arith.constant 128 : i32
      %mul3A_20 = arith.muli %scan3A_6, %mul3A_19 : i32
      %add3A_21 = arith.addi %mul3A_18, %mul3A_20 : i32
      "tpu.region"() ({
        %run_scoped3A = tpu.sem_alloc : memref<!tpu.dma_semaphore, #tpu.memory_space<semaphore_mem>>
        %dma_start3A_22 = arith.constant 0 : i32
        %dma_start3A_23 = tpu.memref_slice %arg4[%add3A_21, %dma_start3A_22] : memref<204800x128xf32, #tpu.memory_space<hbm>> -> memref<128x128xf32, #tpu.memory_space<hbm>>
        %dma_start3A_24 = arith.constant 0 : i32
        %dma_start3A_25 = tpu.memref_slice %arg4[%add3A_21, %dma_start3A_24] : memref<204800x128xf32, #tpu.memory_space<hbm>> -> memref<128x128xf32, #tpu.memory_space<hbm>>
        tpu.enqueue_dma source(%arg6 : memref<128x128xf32, #tpu.memory_space<vmem>>) target(%dma_start3A_25 : memref<128x128xf32, #tpu.memory_space<hbm>>) target_semaphore(%run_scoped3A : memref<!tpu.dma_semaphore, #tpu.memory_space<semaphore_mem>>)
        %dma_wait3A_26 = arith.constant 0 : i32
        %dma_wait3A_27 = tpu.memref_slice %arg4[%add3A_21, %dma_wait3A_26] : memref<204800x128xf32, #tpu.memory_space<hbm>> -> memref<128x128xf32, #tpu.memory_space<hbm>>
        %dma_wait3A_28 = arith.constant 0 : i32
        %dma_wait3A_29 = tpu.memref_slice %arg4[%add3A_21, %dma_wait3A_28] : memref<204800x128xf32, #tpu.memory_space<hbm>> -> memref<128x128xf32, #tpu.memory_space<hbm>>
        tpu.wait_dma2 semaphore(%run_scoped3A : memref<!tpu.dma_semaphore, #tpu.memory_space<semaphore_mem>>) src(%arg6 : memref<128x128xf32, #tpu.memory_space<vmem>>) dst(%dma_wait3A_29 : memref<128x128xf32, #tpu.memory_space<hbm>>)
        tpu.yield
      }) : () -> ()
    }
    %scan3A_5 = arith.constant 50 : i32
    return
  }
}

module attributes {stable_mosaic.version = 14 : i64} {
  func.func @_transformer_body(%arg0: i32, %arg1: memref<1024xi32, #tpu.memory_space<smem>>, %arg2: memref<3200x128xf32, #tpu.memory_space<vmem>>, %arg3: memref<3200x128xf32, #tpu.memory_space<vmem>>, %arg4: memref<3200x1xf32, #tpu.memory_space<vmem>>, %arg5: memref<16x1xf32, #tpu.memory_space<vmem>>, %arg6: memref<3200x1xf32, #tpu.memory_space<vmem>>, %arg7: memref<200x200xbf16, #tpu.memory_space<vmem>>, %arg8: memref<3200x16xbf16, #tpu.memory_space<vmem>>, %arg9: memref<2x128x128xbf16, #tpu.memory_space<vmem>>, %arg10: memref<2x128xf32, #tpu.memory_space<vmem>>, %arg11: memref<512x128xbf16, #tpu.memory_space<vmem>>, %arg12: memref<512xf32, #tpu.memory_space<vmem>>, %arg13: memref<256x128xbf16, #tpu.memory_space<vmem>>, %arg14: memref<256xf32, #tpu.memory_space<vmem>>, %arg15: memref<2x128x128xbf16, #tpu.memory_space<vmem>>, %arg16: memref<2x128xf32, #tpu.memory_space<vmem>>, %arg17: memref<2x128xf32, #tpu.memory_space<vmem>>, %arg18: memref<2x128xf32, #tpu.memory_space<vmem>>, %arg19: memref<2x128xf32, #tpu.memory_space<vmem>>, %arg20: memref<2x128xf32, #tpu.memory_space<vmem>>, %arg21: memref<2x128x128xbf16, #tpu.memory_space<vmem>>, %arg22: memref<2x128xf32, #tpu.memory_space<vmem>>, %arg23: memref<2x128x128xbf16, #tpu.memory_space<vmem>>, %arg24: memref<2x128xf32, #tpu.memory_space<vmem>>, %arg25: memref<128xf32, #tpu.memory_space<vmem>>, %arg26: memref<128xf32, #tpu.memory_space<vmem>>, %arg27: memref<16x128xf32, #tpu.memory_space<vmem>>, %arg28: memref<3200x128xbf16, #tpu.memory_space<vmem>>, %arg29: memref<3200x128xf32, #tpu.memory_space<vmem>>) attributes {dimension_semantics = [#tpu.dimension_semantics<arbitrary>], iteration_bounds = array<i64: 64>, scalar_prefetch = 1 : i64, scratch_operands = 2 : i64, tpu.core_type = #tpu.core_type<tc>, window_params = [{transform_indices = @transform_0, window_bounds = array<i64: 3200, 128>}, {pipeline_mode = #tpu.pipeline_mode<synchronous>, transform_indices = @transform_1, window_bounds = array<i64: 3200, 128>}, {transform_indices = @transform_2, window_bounds = array<i64: 3200, 1>}, {transform_indices = @transform_3, window_bounds = array<i64: 16, 1>}, {transform_indices = @transform_4, window_bounds = array<i64: 3200, 1>}, {pipeline_mode = #tpu.pipeline_mode<synchronous>, transform_indices = @transform_5, window_bounds = array<i64: 200, 200>}, {pipeline_mode = #tpu.pipeline_mode<synchronous>, transform_indices = @transform_6, window_bounds = array<i64: 3200, 16>}, {pipeline_mode = #tpu.pipeline_mode<synchronous>, transform_indices = @transform_7, window_bounds = array<i64: 2, 128, 128>}, {pipeline_mode = #tpu.pipeline_mode<synchronous>, transform_indices = @transform_8, window_bounds = array<i64: 2, 128>}, {pipeline_mode = #tpu.pipeline_mode<synchronous>, transform_indices = @transform_9, window_bounds = array<i64: 512, 128>}, {pipeline_mode = #tpu.pipeline_mode<synchronous>, transform_indices = @transform_10, window_bounds = array<i64: 512>}, {pipeline_mode = #tpu.pipeline_mode<synchronous>, transform_indices = @transform_11, window_bounds = array<i64: 256, 128>}, {pipeline_mode = #tpu.pipeline_mode<synchronous>, transform_indices = @transform_12, window_bounds = array<i64: 256>}, {pipeline_mode = #tpu.pipeline_mode<synchronous>, transform_indices = @transform_13, window_bounds = array<i64: 2, 128, 128>}, {pipeline_mode = #tpu.pipeline_mode<synchronous>, transform_indices = @transform_14, window_bounds = array<i64: 2, 128>}, {pipeline_mode = #tpu.pipeline_mode<synchronous>, transform_indices = @transform_15, window_bounds = array<i64: 2, 128>}, {pipeline_mode = #tpu.pipeline_mode<synchronous>, transform_indices = @transform_16, window_bounds = array<i64: 2, 128>}, {pipeline_mode = #tpu.pipeline_mode<synchronous>, transform_indices = @transform_17, window_bounds = array<i64: 2, 128>}, {pipeline_mode = #tpu.pipeline_mode<synchronous>, transform_indices = @transform_18, window_bounds = array<i64: 2, 128>}, {pipeline_mode = #tpu.pipeline_mode<synchronous>, transform_indices = @transform_19, window_bounds = array<i64: 2, 128, 128>}, {pipeline_mode = #tpu.pipeline_mode<synchronous>, transform_indices = @transform_20, window_bounds = array<i64: 2, 128>}, {pipeline_mode = #tpu.pipeline_mode<synchronous>, transform_indices = @transform_21, window_bounds = array<i64: 2, 128, 128>}, {pipeline_mode = #tpu.pipeline_mode<synchronous>, transform_indices = @transform_22, window_bounds = array<i64: 2, 128>}, {pipeline_mode = #tpu.pipeline_mode<synchronous>, transform_indices = @transform_23, window_bounds = array<i64: 128>}, {pipeline_mode = #tpu.pipeline_mode<synchronous>, transform_indices = @transform_24, window_bounds = array<i64: 128>}, {transform_indices = @transform_25, window_bounds = array<i64: 16, 128>}]} {
    %get3A = arith.constant 0 : index
    %get3A_0 = arith.constant 0 : index
    %get3A_1 = vector.load %arg4[%get3A, %get3A_0] : memref<3200x1xf32, #tpu.memory_space<vmem>>, vector<3200x1xf32>
    %get3A_2 = arith.constant 0 : index
    %get3A_3 = arith.constant 0 : index
    %get3A_4 = vector.load %arg2[%get3A_2, %get3A_3] : memref<3200x128xf32, #tpu.memory_space<vmem>>, vector<3200x128xf32>
    %get3A_5 = arith.constant 0 : index
    %get3A_6 = arith.constant 0 : index
    %get3A_7 = vector.load %arg3[%get3A_5, %get3A_6] : memref<3200x128xf32, #tpu.memory_space<vmem>>, vector<3200x128xf32>
    %add3A = arith.addf %get3A_4, %get3A_7 : vector<3200x128xf32>
    %mul3A = vector.broadcast %get3A_1 : vector<3200x1xf32> to vector<3200x128xf32>
    %mul3A_8 = arith.mulf %add3A, %mul3A : vector<3200x128xf32>
    %get3A_9 = arith.constant 0 : index
    %get3A_10 = arith.constant 0 : index
    %get3A_11 = vector.load %arg17[%get3A_9, %get3A_10] : memref<2x128xf32, #tpu.memory_space<vmem>>, vector<1x128xf32>
    %get3A_12 = vector.shape_cast %get3A_11 : vector<1x128xf32> to vector<128xf32>
    %get3A_13 = arith.constant 0 : index
    %get3A_14 = arith.constant 0 : index
    %get3A_15 = vector.load %arg18[%get3A_13, %get3A_14] : memref<2x128xf32, #tpu.memory_space<vmem>>, vector<1x128xf32>
    %get3A_16 = vector.shape_cast %get3A_15 : vector<1x128xf32> to vector<128xf32>
    %reduce_sum3A = arith.constant dense<0.000000e+00> : vector<3200xf32>
    %reduce_sum3A_17 = vector.multi_reduction <add>, %mul3A_8, %reduce_sum3A [1] : vector<3200x128xf32> to vector<3200xf32>
    %broadcast_in_dim3A = vector.shape_cast %reduce_sum3A_17 : vector<3200xf32> to vector<3200x1xf32>
    %div3A = arith.constant 1.280000e+02 : f32
    %div3A_18 = vector.broadcast %div3A : f32 to vector<3200x1xf32>
    %div3A_19 = arith.divf %broadcast_in_dim3A, %div3A_18 : vector<3200x1xf32>
    %sub3A = vector.broadcast %div3A_19 : vector<3200x1xf32> to vector<3200x128xf32>
    %sub3A_20 = arith.subf %mul3A_8, %sub3A : vector<3200x128xf32>
    %integer_pow3A = arith.mulf %sub3A_20, %sub3A_20 : vector<3200x128xf32>
    %reduce_sum3A_21 = arith.constant dense<0.000000e+00> : vector<3200xf32>
    %reduce_sum3A_22 = vector.multi_reduction <add>, %integer_pow3A, %reduce_sum3A_21 [1] : vector<3200x128xf32> to vector<3200xf32>
    %broadcast_in_dim3A_23 = vector.shape_cast %reduce_sum3A_22 : vector<3200xf32> to vector<3200x1xf32>
    %div3A_24 = arith.constant 1.280000e+02 : f32
    %div3A_25 = vector.broadcast %div3A_24 : f32 to vector<3200x1xf32>
    %div3A_26 = arith.divf %broadcast_in_dim3A_23, %div3A_25 : vector<3200x1xf32>
    %sub3A_27 = vector.broadcast %div3A_19 : vector<3200x1xf32> to vector<3200x128xf32>
    %sub3A_28 = arith.subf %mul3A_8, %sub3A_27 : vector<3200x128xf32>
    %add3A_29 = arith.constant 9.99999993E-9 : f32
    %add3A_30 = vector.broadcast %add3A_29 : f32 to vector<3200x1xf32>
    %add3A_31 = arith.addf %div3A_26, %add3A_30 : vector<3200x1xf32>
    %sqrt3A = math.sqrt %add3A_31 : vector<3200x1xf32>
    %div3A_32 = vector.broadcast %sqrt3A : vector<3200x1xf32> to vector<3200x128xf32>
    %div3A_33 = arith.divf %sub3A_28, %div3A_32 : vector<3200x128xf32>
    %broadcast_in_dim3A_34 = vector.shape_cast %get3A_12 : vector<128xf32> to vector<1x128xf32>
    %mul3A_35 = vector.broadcast %broadcast_in_dim3A_34 : vector<1x128xf32> to vector<3200x128xf32>
    %mul3A_36 = arith.mulf %div3A_33, %mul3A_35 : vector<3200x128xf32>
    %broadcast_in_dim3A_37 = vector.shape_cast %get3A_16 : vector<128xf32> to vector<1x128xf32>
    %add3A_38 = vector.broadcast %broadcast_in_dim3A_37 : vector<1x128xf32> to vector<3200x128xf32>
    %add3A_39 = arith.addf %mul3A_36, %add3A_38 : vector<3200x128xf32>
    %convert_element_type3A = arith.truncf %add3A_39 : vector<3200x128xf32> to vector<3200x128xbf16>
    %get3A_40 = arith.constant 0 : index
    %get3A_41 = arith.constant 0 : index
    %get3A_42 = arith.constant 0 : index
    %get3A_43 = vector.load %arg9[%get3A_40, %get3A_41, %get3A_42] : memref<2x128x128xbf16, #tpu.memory_space<vmem>>, vector<1x128x128xbf16>
    %get3A_44 = vector.shape_cast %get3A_43 : vector<1x128x128xbf16> to vector<128x128xbf16>
    %dot_general3A = arith.constant dense<0.000000e+00> : vector<3200x128xf32>
    %dot_general3A_45 = tpu.matmul %convert_element_type3A, %get3A_44, %dot_general3A {dimension_numbers = #tpu.dot_dimension_numbers<[1], [1], [0], [0], [0, 0, 1, 0], [], []>, transpose_lhs_hint = false} : vector<3200x128xbf16>, vector<128x128xbf16>, vector<3200x128xf32> -> vector<3200x128xf32>
    %get3A_46 = arith.constant 0 : index
    %get3A_47 = arith.constant 0 : index
    %get3A_48 = vector.load %arg10[%get3A_46, %get3A_47] : memref<2x128xf32, #tpu.memory_space<vmem>>, vector<1x128xf32>
    %get3A_49 = vector.shape_cast %get3A_48 : vector<1x128xf32> to vector<128xf32>
    %broadcast_in_dim3A_50 = vector.shape_cast %get3A_49 : vector<128xf32> to vector<1x128xf32>
    %add3A_51 = vector.broadcast %broadcast_in_dim3A_50 : vector<1x128xf32> to vector<3200x128xf32>
    %add3A_52 = arith.addf %dot_general3A_45, %add3A_51 : vector<3200x128xf32>
    %convert_element_type3A_53 = arith.truncf %add3A_52 : vector<3200x128xf32> to vector<3200x128xbf16>
    %convert_element_type3A_54 = arith.truncf %mul3A_8 : vector<3200x128xf32> to vector<3200x128xbf16>
    %get3A_55 = arith.constant 0 : index
    %get3A_56 = arith.constant 0 : index
    %get3A_57 = vector.load %arg11[%get3A_55, %get3A_56] : memref<512x128xbf16, #tpu.memory_space<vmem>>, vector<512x128xbf16>
    %dot_general3A_58 = arith.constant dense<0.000000e+00> : vector<3200x512xf32>
    %dot_general3A_59 = tpu.matmul %convert_element_type3A_54, %get3A_57, %dot_general3A_58 {dimension_numbers = #tpu.dot_dimension_numbers<[1], [1], [0], [0], [0, 0, 1, 0], [], []>, transpose_lhs_hint = false} : vector<3200x128xbf16>, vector<512x128xbf16>, vector<3200x512xf32> -> vector<3200x512xf32>
    %get3A_60 = arith.constant 0 : index
    %get3A_61 = vector.load %arg12[%get3A_60] : memref<512xf32, #tpu.memory_space<vmem>>, vector<512xf32>
    %broadcast_in_dim3A_62 = vector.shape_cast %get3A_61 : vector<512xf32> to vector<1x512xf32>
    %add3A_63 = vector.broadcast %broadcast_in_dim3A_62 : vector<1x512xf32> to vector<3200x512xf32>
    %add3A_64 = arith.addf %dot_general3A_59, %add3A_63 : vector<3200x512xf32>
    %convert_element_type3A_65 = arith.truncf %add3A_64 : vector<3200x512xf32> to vector<3200x512xbf16>
    %get3A_66 = arith.constant 0 : index
    %get3A_67 = arith.constant 0 : index
    %get3A_68 = vector.load %arg7[%get3A_66, %get3A_67] : memref<200x200xbf16, #tpu.memory_space<vmem>>, vector<200x200xbf16>
    %broadcast_in_dim3A_69 = arith.constant 1.000000e+00 : bf16
    %broadcast_in_dim3A_70 = vector.broadcast %broadcast_in_dim3A_69 : bf16 to vector<200x1xbf16>
    %slice3A = vector.extract_strided_slice %convert_element_type3A_53 {offsets = [0, 0], sizes = [200, 128], strides = [1, 1]} : vector<3200x128xbf16> to vector<200x128xbf16>
    %slice3A_71 = vector.extract_strided_slice %convert_element_type3A_65 {offsets = [0, 0], sizes = [200, 128], strides = [1, 1]} : vector<3200x512xbf16> to vector<200x128xbf16>
    %dot_general3A_72 = arith.constant dense<0.000000e+00> : vector<200x200xf32>
    %dot_general3A_73 = tpu.matmul %slice3A, %slice3A_71, %dot_general3A_72 {dimension_numbers = #tpu.dot_dimension_numbers<[1], [1], [0], [0], [0, 0, 1, 0], [], []>, transpose_lhs_hint = false} : vector<200x128xbf16>, vector<200x128xbf16>, vector<200x200xf32> -> vector<200x200xf32>
    %exp23A = math.exp2 %dot_general3A_73 : vector<200x200xf32>
    %convert_element_type3A_74 = arith.extf %get3A_68 : vector<200x200xbf16> to vector<200x200xf32>
    %mul3A_75 = arith.mulf %exp23A, %convert_element_type3A_74 : vector<200x200xf32>
    %convert_element_type3A_76 = arith.truncf %mul3A_75 : vector<200x200xf32> to vector<200x200xbf16>
    %dot_general3A_77 = arith.constant dense<0.000000e+00> : vector<200x1xf32>
    %dot_general3A_78 = tpu.matmul %convert_element_type3A_76, %broadcast_in_dim3A_70, %dot_general3A_77 {dimension_numbers = #tpu.dot_dimension_numbers<[1], [0], [0], [1], [0, 0, 1, 1], [], []>, transpose_lhs_hint = false} : vector<200x200xbf16>, vector<200x1xbf16>, vector<200x1xf32> -> vector<200x1xf32>
    %slice3A_79 = vector.extract_strided_slice %convert_element_type3A_65 {offsets = [0, 256], sizes = [200, 128], strides = [1, 1]} : vector<3200x512xbf16> to vector<200x128xbf16>
    %dot_general3A_80 = arith.constant dense<0.000000e+00> : vector<200x128xf32>
    %dot_general3A_81 = tpu.matmul %convert_element_type3A_76, %slice3A_79, %dot_general3A_80 {dimension_numbers = #tpu.dot_dimension_numbers<[1], [0], [0], [1], [0, 0, 1, 1], [], []>, transpose_lhs_hint = false} : vector<200x200xbf16>, vector<200x128xbf16>, vector<200x128xf32> -> vector<200x128xf32>
    %div3A_82 = arith.constant 1.000000e+00 : f32
    %div3A_83 = vector.broadcast %div3A_82 : f32 to vector<200x1xf32>
    %div3A_84 = arith.divf %div3A_83, %dot_general3A_78 : vector<200x1xf32>
    %mul3A_85 = vector.broadcast %div3A_84 : vector<200x1xf32> to vector<200x128xf32>
    %mul3A_86 = arith.mulf %dot_general3A_81, %mul3A_85 : vector<200x128xf32>
    %slice3A_87 = vector.extract_strided_slice %convert_element_type3A_53 {offsets = [0, 0], sizes = [200, 128], strides = [1, 1]} : vector<3200x128xbf16> to vector<200x128xbf16>
    %slice3A_88 = vector.extract_strided_slice %convert_element_type3A_65 {offsets = [0, 128], sizes = [200, 128], strides = [1, 1]} : vector<3200x512xbf16> to vector<200x128xbf16>
    %dot_general3A_89 = arith.constant dense<0.000000e+00> : vector<200x200xf32>
    %dot_general3A_90 = tpu.matmul %slice3A_87, %slice3A_88, %dot_general3A_89 {dimension_numbers = #tpu.dot_dimension_numbers<[1], [1], [0], [0], [0, 0, 1, 0], [], []>, transpose_lhs_hint = false} : vector<200x128xbf16>, vector<200x128xbf16>, vector<200x200xf32> -> vector<200x200xf32>
    %exp23A_91 = math.exp2 %dot_general3A_90 : vector<200x200xf32>
    %convert_element_type3A_92 = arith.extf %get3A_68 : vector<200x200xbf16> to vector<200x200xf32>
    %mul3A_93 = arith.mulf %exp23A_91, %convert_element_type3A_92 : vector<200x200xf32>
    %convert_element_type3A_94 = arith.truncf %mul3A_93 : vector<200x200xf32> to vector<200x200xbf16>
    %dot_general3A_95 = arith.constant dense<0.000000e+00> : vector<200x1xf32>
    %dot_general3A_96 = tpu.matmul %convert_element_type3A_94, %broadcast_in_dim3A_70, %dot_general3A_95 {dimension_numbers = #tpu.dot_dimension_numbers<[1], [0], [0], [1], [0, 0, 1, 1], [], []>, transpose_lhs_hint = false} : vector<200x200xbf16>, vector<200x1xbf16>, vector<200x1xf32> -> vector<200x1xf32>
    %slice3A_97 = vector.extract_strided_slice %convert_element_type3A_65 {offsets = [0, 384], sizes = [200, 128], strides = [1, 1]} : vector<3200x512xbf16> to vector<200x128xbf16>
    %dot_general3A_98 = arith.constant dense<0.000000e+00> : vector<200x128xf32>
    %dot_general3A_99 = tpu.matmul %convert_element_type3A_94, %slice3A_97, %dot_general3A_98 {dimension_numbers = #tpu.dot_dimension_numbers<[1], [0], [0], [1], [0, 0, 1, 1], [], []>, transpose_lhs_hint = false} : vector<200x200xbf16>, vector<200x128xbf16>, vector<200x128xf32> -> vector<200x128xf32>
    %div3A_100 = arith.constant 1.000000e+00 : f32
    %div3A_101 = vector.broadcast %div3A_100 : f32 to vector<200x1xf32>
    %div3A_102 = arith.divf %div3A_101, %dot_general3A_96 : vector<200x1xf32>
    %mul3A_103 = vector.broadcast %div3A_102 : vector<200x1xf32> to vector<200x128xf32>
    %mul3A_104 = arith.mulf %dot_general3A_99, %mul3A_103 : vector<200x128xf32>
    %add3A_105 = arith.addf %mul3A_86, %mul3A_104 : vector<200x128xf32>
    %convert_element_type3A_106 = arith.truncf %add3A_105 : vector<200x128xf32> to vector<200x128xbf16>
    %swap3A = arith.constant 0 : index
    %swap3A_107 = arith.constant 0 : index
    %swap3A_108 = vector.load %arg28[%swap3A, %swap3A_107] : memref<3200x128xbf16, #tpu.memory_space<vmem>>, vector<200x128xbf16>
    tpu.vector_store %arg28[%swap3A, %swap3A_107], %convert_element_type3A_106 {strides = array<i32>} : memref<3200x128xbf16, #tpu.memory_space<vmem>>, vector<200x128xbf16>,
    %slice3A_109 = vector.extract_strided_slice %convert_element_type3A_53 {offsets = [200, 0], sizes = [200, 128], strides = [1, 1]} : vector<3200x128xbf16> to vector<200x128xbf16>
    %slice3A_110 = vector.extract_strided_slice %convert_element_type3A_65 {offsets = [200, 0], sizes = [200, 128], strides = [1, 1]} : vector<3200x512xbf16> to vector<200x128xbf16>
    %dot_general3A_111 = arith.constant dense<0.000000e+00> : vector<200x200xf32>
    %dot_general3A_112 = tpu.matmul %slice3A_109, %slice3A_110, %dot_general3A_111 {dimension_numbers = #tpu.dot_dimension_numbers<[1], [1], [0], [0], [0, 0, 1, 0], [], []>, transpose_lhs_hint = false} : vector<200x128xbf16>, vector<200x128xbf16>, vector<200x200xf32> -> vector<200x200xf32>
    %exp23A_113 = math.exp2 %dot_general3A_112 : vector<200x200xf32>
    %convert_element_type3A_114 = arith.extf %get3A_68 : vector<200x200xbf16> to vector<200x200xf32>
    %mul3A_115 = arith.mulf %exp23A_113, %convert_element_type3A_114 : vector<200x200xf32>
    %convert_element_type3A_116 = arith.truncf %mul3A_115 : vector<200x200xf32> to vector<200x200xbf16>
    %dot_general3A_117 = arith.constant dense<0.000000e+00> : vector<200x1xf32>
    %dot_general3A_118 = tpu.matmul %convert_element_type3A_116, %broadcast_in_dim3A_70, %dot_general3A_117 {dimension_numbers = #tpu.dot_dimension_numbers<[1], [0], [0], [1], [0, 0, 1, 1], [], []>, transpose_lhs_hint = false} : vector<200x200xbf16>, vector<200x1xbf16>, vector<200x1xf32> -> vector<200x1xf32>
    %slice3A_119 = vector.extract_strided_slice %convert_element_type3A_65 {offsets = [200, 256], sizes = [200, 128], strides = [1, 1]} : vector<3200x512xbf16> to vector<200x128xbf16>
    %dot_general3A_120 = arith.constant dense<0.000000e+00> : vector<200x128xf32>
    %dot_general3A_121 = tpu.matmul %convert_element_type3A_116, %slice3A_119, %dot_general3A_120 {dimension_numbers = #tpu.dot_dimension_numbers<[1], [0], [0], [1], [0, 0, 1, 1], [], []>, transpose_lhs_hint = false} : vector<200x200xbf16>, vector<200x128xbf16>, vector<200x128xf32> -> vector<200x128xf32>
    %div3A_122 = arith.constant 1.000000e+00 : f32
    %div3A_123 = vector.broadcast %div3A_122 : f32 to vector<200x1xf32>
    %div3A_124 = arith.divf %div3A_123, %dot_general3A_118 : vector<200x1xf32>
    %mul3A_125 = vector.broadcast %div3A_124 : vector<200x1xf32> to vector<200x128xf32>
    %mul3A_126 = arith.mulf %dot_general3A_121, %mul3A_125 : vector<200x128xf32>
    %slice3A_127 = vector.extract_strided_slice %convert_element_type3A_53 {offsets = [200, 0], sizes = [200, 128], strides = [1, 1]} : vector<3200x128xbf16> to vector<200x128xbf16>
    %slice3A_128 = vector.extract_strided_slice %convert_element_type3A_65 {offsets = [200, 128], sizes = [200, 128], strides = [1, 1]} : vector<3200x512xbf16> to vector<200x128xbf16>
    %dot_general3A_129 = arith.constant dense<0.000000e+00> : vector<200x200xf32>
    %dot_general3A_130 = tpu.matmul %slice3A_127, %slice3A_128, %dot_general3A_129 {dimension_numbers = #tpu.dot_dimension_numbers<[1], [1], [0], [0], [0, 0, 1, 0], [], []>, transpose_lhs_hint = false} : vector<200x128xbf16>, vector<200x128xbf16>, vector<200x200xf32> -> vector<200x200xf32>
    %exp23A_131 = math.exp2 %dot_general3A_130 : vector<200x200xf32>
    %convert_element_type3A_132 = arith.extf %get3A_68 : vector<200x200xbf16> to vector<200x200xf32>
    %mul3A_133 = arith.mulf %exp23A_131, %convert_element_type3A_132 : vector<200x200xf32>
    %convert_element_type3A_134 = arith.truncf %mul3A_133 : vector<200x200xf32> to vector<200x200xbf16>
    %dot_general3A_135 = arith.constant dense<0.000000e+00> : vector<200x1xf32>
    %dot_general3A_136 = tpu.matmul %convert_element_type3A_134, %broadcast_in_dim3A_70, %dot_general3A_135 {dimension_numbers = #tpu.dot_dimension_numbers<[1], [0], [0], [1], [0, 0, 1, 1], [], []>, transpose_lhs_hint = false} : vector<200x200xbf16>, vector<200x1xbf16>, vector<200x1xf32> -> vector<200x1xf32>
    %slice3A_137 = vector.extract_strided_slice %convert_element_type3A_65 {offsets = [200, 384], sizes = [200, 128], strides = [1, 1]} : vector<3200x512xbf16> to vector<200x128xbf16>
    %dot_general3A_138 = arith.constant dense<0.000000e+00> : vector<200x128xf32>
    %dot_general3A_139 = tpu.matmul %convert_element_type3A_134, %slice3A_137, %dot_general3A_138 {dimension_numbers = #tpu.dot_dimension_numbers<[1], [0], [0], [1], [0, 0, 1, 1], [], []>, transpose_lhs_hint = false} : vector<200x200xbf16>, vector<200x128xbf16>, vector<200x128xf32> -> vector<200x128xf32>
    %div3A_140 = arith.constant 1.000000e+00 : f32
    %div3A_141 = vector.broadcast %div3A_140 : f32 to vector<200x1xf32>
    %div3A_142 = arith.divf %div3A_141, %dot_general3A_136 : vector<200x1xf32>
    %mul3A_143 = vector.broadcast %div3A_142 : vector<200x1xf32> to vector<200x128xf32>
    %mul3A_144 = arith.mulf %dot_general3A_139, %mul3A_143 : vector<200x128xf32>
    %add3A_145 = arith.addf %mul3A_126, %mul3A_144 : vector<200x128xf32>
    %convert_element_type3A_146 = arith.truncf %add3A_145 : vector<200x128xf32> to vector<200x128xbf16>
    %swap3A_147 = arith.constant 200 : index
    %swap3A_148 = arith.constant 0 : index
    %swap3A_149 = vector.load %arg28[%swap3A_147, %swap3A_148] : memref<3200x128xbf16, #tpu.memory_space<vmem>>, vector<200x128xbf16>
    tpu.vector_store %arg28[%swap3A_147, %swap3A_148], %convert_element_type3A_146 {strides = array<i32>} : memref<3200x128xbf16, #tpu.memory_space<vmem>>, vector<200x128xbf16>,
    %slice3A_150 = vector.extract_strided_slice %convert_element_type3A_53 {offsets = [400, 0], sizes = [200, 128], strides = [1, 1]} : vector<3200x128xbf16> to vector<200x128xbf16>
    %slice3A_151 = vector.extract_strided_slice %convert_element_type3A_65 {offsets = [400, 0], sizes = [200, 128], strides = [1, 1]} : vector<3200x512xbf16> to vector<200x128xbf16>
    %dot_general3A_152 = arith.constant dense<0.000000e+00> : vector<200x200xf32>
    %dot_general3A_153 = tpu.matmul %slice3A_150, %slice3A_151, %dot_general3A_152 {dimension_numbers = #tpu.dot_dimension_numbers<[1], [1], [0], [0], [0, 0, 1, 0], [], []>, transpose_lhs_hint = false} : vector<200x128xbf16>, vector<200x128xbf16>, vector<200x200xf32> -> vector<200x200xf32>
    %exp23A_154 = math.exp2 %dot_general3A_153 : vector<200x200xf32>
    %convert_element_type3A_155 = arith.extf %get3A_68 : vector<200x200xbf16> to vector<200x200xf32>
    %mul3A_156 = arith.mulf %exp23A_154, %convert_element_type3A_155 : vector<200x200xf32>
    %convert_element_type3A_157 = arith.truncf %mul3A_156 : vector<200x200xf32> to vector<200x200xbf16>
    %dot_general3A_158 = arith.constant dense<0.000000e+00> : vector<200x1xf32>
    %dot_general3A_159 = tpu.matmul %convert_element_type3A_157, %broadcast_in_dim3A_70, %dot_general3A_158 {dimension_numbers = #tpu.dot_dimension_numbers<[1], [0], [0], [1], [0, 0, 1, 1], [], []>, transpose_lhs_hint = false} : vector<200x200xbf16>, vector<200x1xbf16>, vector<200x1xf32> -> vector<200x1xf32>
    %slice3A_160 = vector.extract_strided_slice %convert_element_type3A_65 {offsets = [400, 256], sizes = [200, 128], strides = [1, 1]} : vector<3200x512xbf16> to vector<200x128xbf16>
    %dot_general3A_161 = arith.constant dense<0.000000e+00> : vector<200x128xf32>
    %dot_general3A_162 = tpu.matmul %convert_element_type3A_157, %slice3A_160, %dot_general3A_161 {dimension_numbers = #tpu.dot_dimension_numbers<[1], [0], [0], [1], [0, 0, 1, 1], [], []>, transpose_lhs_hint = false} : vector<200x200xbf16>, vector<200x128xbf16>, vector<200x128xf32> -> vector<200x128xf32>
    %div3A_163 = arith.constant 1.000000e+00 : f32
    %div3A_164 = vector.broadcast %div3A_163 : f32 to vector<200x1xf32>
    %div3A_165 = arith.divf %div3A_164, %dot_general3A_159 : vector<200x1xf32>
    %mul3A_166 = vector.broadcast %div3A_165 : vector<200x1xf32> to vector<200x128xf32>
    %mul3A_167 = arith.mulf %dot_general3A_162, %mul3A_166 : vector<200x128xf32>
    %slice3A_168 = vector.extract_strided_slice %convert_element_type3A_53 {offsets = [400, 0], sizes = [200, 128], strides = [1, 1]} : vector<3200x128xbf16> to vector<200x128xbf16>
    %slice3A_169 = vector.extract_strided_slice %convert_element_type3A_65 {offsets = [400, 128], sizes = [200, 128], strides = [1, 1]} : vector<3200x512xbf16> to vector<200x128xbf16>
    %dot_general3A_170 = arith.constant dense<0.000000e+00> : vector<200x200xf32>
    %dot_general3A_171 = tpu.matmul %slice3A_168, %slice3A_169, %dot_general3A_170 {dimension_numbers = #tpu.dot_dimension_numbers<[1], [1], [0], [0], [0, 0, 1, 0], [], []>, transpose_lhs_hint = false} : vector<200x128xbf16>, vector<200x128xbf16>, vector<200x200xf32> -> vector<200x200xf32>
    %exp23A_172 = math.exp2 %dot_general3A_171 : vector<200x200xf32>
    %convert_element_type3A_173 = arith.extf %get3A_68 : vector<200x200xbf16> to vector<200x200xf32>
    %mul3A_174 = arith.mulf %exp23A_172, %convert_element_type3A_173 : vector<200x200xf32>
    %convert_element_type3A_175 = arith.truncf %mul3A_174 : vector<200x200xf32> to vector<200x200xbf16>
    %dot_general3A_176 = arith.constant dense<0.000000e+00> : vector<200x1xf32>
    %dot_general3A_177 = tpu.matmul %convert_element_type3A_175, %broadcast_in_dim3A_70, %dot_general3A_176 {dimension_numbers = #tpu.dot_dimension_numbers<[1], [0], [0], [1], [0, 0, 1, 1], [], []>, transpose_lhs_hint = false} : vector<200x200xbf16>, vector<200x1xbf16>, vector<200x1xf32> -> vector<200x1xf32>
    %slice3A_178 = vector.extract_strided_slice %convert_element_type3A_65 {offsets = [400, 384], sizes = [200, 128], strides = [1, 1]} : vector<3200x512xbf16> to vector<200x128xbf16>
    %dot_general3A_179 = arith.constant dense<0.000000e+00> : vector<200x128xf32>
    %dot_general3A_180 = tpu.matmul %convert_element_type3A_175, %slice3A_178, %dot_general3A_179 {dimension_numbers = #tpu.dot_dimension_numbers<[1], [0], [0], [1], [0, 0, 1, 1], [], []>, transpose_lhs_hint = false} : vector<200x200xbf16>, vector<200x128xbf16>, vector<200x128xf32> -> vector<200x128xf32>
    %div3A_181 = arith.constant 1.000000e+00 : f32
    %div3A_182 = vector.broadcast %div3A_181 : f32 to vector<200x1xf32>
    %div3A_183 = arith.divf %div3A_182, %dot_general3A_177 : vector<200x1xf32>
    %mul3A_184 = vector.broadcast %div3A_183 : vector<200x1xf32> to vector<200x128xf32>
    %mul3A_185 = arith.mulf %dot_general3A_180, %mul3A_184 : vector<200x128xf32>
    %add3A_186 = arith.addf %mul3A_167, %mul3A_185 : vector<200x128xf32>
    %convert_element_type3A_187 = arith.truncf %add3A_186 : vector<200x128xf32> to vector<200x128xbf16>
    %swap3A_188 = arith.constant 400 : index
    %swap3A_189 = arith.constant 0 : index
    %swap3A_190 = vector.load %arg28[%swap3A_188, %swap3A_189] : memref<3200x128xbf16, #tpu.memory_space<vmem>>, vector<200x128xbf16>
    tpu.vector_store %arg28[%swap3A_188, %swap3A_189], %convert_element_type3A_187 {strides = array<i32>} : memref<3200x128xbf16, #tpu.memory_space<vmem>>, vector<200x128xbf16>,
    %slice3A_191 = vector.extract_strided_slice %convert_element_type3A_53 {offsets = [600, 0], sizes = [200, 128], strides = [1, 1]} : vector<3200x128xbf16> to vector<200x128xbf16>
    %slice3A_192 = vector.extract_strided_slice %convert_element_type3A_65 {offsets = [600, 0], sizes = [200, 128], strides = [1, 1]} : vector<3200x512xbf16> to vector<200x128xbf16>
    %dot_general3A_193 = arith.constant dense<0.000000e+00> : vector<200x200xf32>
    %dot_general3A_194 = tpu.matmul %slice3A_191, %slice3A_192, %dot_general3A_193 {dimension_numbers = #tpu.dot_dimension_numbers<[1], [1], [0], [0], [0, 0, 1, 0], [], []>, transpose_lhs_hint = false} : vector<200x128xbf16>, vector<200x128xbf16>, vector<200x200xf32> -> vector<200x200xf32>
    %exp23A_195 = math.exp2 %dot_general3A_194 : vector<200x200xf32>
    %convert_element_type3A_196 = arith.extf %get3A_68 : vector<200x200xbf16> to vector<200x200xf32>
    %mul3A_197 = arith.mulf %exp23A_195, %convert_element_type3A_196 : vector<200x200xf32>
    %convert_element_type3A_198 = arith.truncf %mul3A_197 : vector<200x200xf32> to vector<200x200xbf16>
    %dot_general3A_199 = arith.constant dense<0.000000e+00> : vector<200x1xf32>
    %dot_general3A_200 = tpu.matmul %convert_element_type3A_198, %broadcast_in_dim3A_70, %dot_general3A_199 {dimension_numbers = #tpu.dot_dimension_numbers<[1], [0], [0], [1], [0, 0, 1, 1], [], []>, transpose_lhs_hint = false} : vector<200x200xbf16>, vector<200x1xbf16>, vector<200x1xf32> -> vector<200x1xf32>
    %slice3A_201 = vector.extract_strided_slice %convert_element_type3A_65 {offsets = [600, 256], sizes = [200, 128], strides = [1, 1]} : vector<3200x512xbf16> to vector<200x128xbf16>
    %dot_general3A_202 = arith.constant dense<0.000000e+00> : vector<200x128xf32>
    %dot_general3A_203 = tpu.matmul %convert_element_type3A_198, %slice3A_201, %dot_general3A_202 {dimension_numbers = #tpu.dot_dimension_numbers<[1], [0], [0], [1], [0, 0, 1, 1], [], []>, transpose_lhs_hint = false} : vector<200x200xbf16>, vector<200x128xbf16>, vector<200x128xf32> -> vector<200x128xf32>
    %div3A_204 = arith.constant 1.000000e+00 : f32
    %div3A_205 = vector.broadcast %div3A_204 : f32 to vector<200x1xf32>
    %div3A_206 = arith.divf %div3A_205, %dot_general3A_200 : vector<200x1xf32>
    %mul3A_207 = vector.broadcast %div3A_206 : vector<200x1xf32> to vector<200x128xf32>
    %mul3A_208 = arith.mulf %dot_general3A_203, %mul3A_207 : vector<200x128xf32>
    %slice3A_209 = vector.extract_strided_slice %convert_element_type3A_53 {offsets = [600, 0], sizes = [200, 128], strides = [1, 1]} : vector<3200x128xbf16> to vector<200x128xbf16>
    %slice3A_210 = vector.extract_strided_slice %convert_element_type3A_65 {offsets = [600, 128], sizes = [200, 128], strides = [1, 1]} : vector<3200x512xbf16> to vector<200x128xbf16>
    %dot_general3A_211 = arith.constant dense<0.000000e+00> : vector<200x200xf32>
    %dot_general3A_212 = tpu.matmul %slice3A_209, %slice3A_210, %dot_general3A_211 {dimension_numbers = #tpu.dot_dimension_numbers<[1], [1], [0], [0], [0, 0, 1, 0], [], []>, transpose_lhs_hint = false} : vector<200x128xbf16>, vector<200x128xbf16>, vector<200x200xf32> -> vector<200x200xf32>
    %exp23A_213 = math.exp2 %dot_general3A_212 : vector<200x200xf32>
    %convert_element_type3A_214 = arith.extf %get3A_68 : vector<200x200xbf16> to vector<200x200xf32>
    %mul3A_215 = arith.mulf %exp23A_213, %convert_element_type3A_214 : vector<200x200xf32>
    %convert_element_type3A_216 = arith.truncf %mul3A_215 : vector<200x200xf32> to vector<200x200xbf16>
    %dot_general3A_217 = arith.constant dense<0.000000e+00> : vector<200x1xf32>
    %dot_general3A_218 = tpu.matmul %convert_element_type3A_216, %broadcast_in_dim3A_70, %dot_general3A_217 {dimension_numbers = #tpu.dot_dimension_numbers<[1], [0], [0], [1], [0, 0, 1, 1], [], []>, transpose_lhs_hint = false} : vector<200x200xbf16>, vector<200x1xbf16>, vector<200x1xf32> -> vector<200x1xf32>
    %slice3A_219 = vector.extract_strided_slice %convert_element_type3A_65 {offsets = [600, 384], sizes = [200, 128], strides = [1, 1]} : vector<3200x512xbf16> to vector<200x128xbf16>
    %dot_general3A_220 = arith.constant dense<0.000000e+00> : vector<200x128xf32>
    %dot_general3A_221 = tpu.matmul %convert_element_type3A_216, %slice3A_219, %dot_general3A_220 {dimension_numbers = #tpu.dot_dimension_numbers<[1], [0], [0], [1], [0, 0, 1, 1], [], []>, transpose_lhs_hint = false} : vector<200x200xbf16>, vector<200x128xbf16>, vector<200x128xf32> -> vector<200x128xf32>
    %div3A_222 = arith.constant 1.000000e+00 : f32
    %div3A_223 = vector.broadcast %div3A_222 : f32 to vector<200x1xf32>
    %div3A_224 = arith.divf %div3A_223, %dot_general3A_218 : vector<200x1xf32>
    %mul3A_225 = vector.broadcast %div3A_224 : vector<200x1xf32> to vector<200x128xf32>
    %mul3A_226 = arith.mulf %dot_general3A_221, %mul3A_225 : vector<200x128xf32>
    %add3A_227 = arith.addf %mul3A_208, %mul3A_226 : vector<200x128xf32>
    %convert_element_type3A_228 = arith.truncf %add3A_227 : vector<200x128xf32> to vector<200x128xbf16>
    %swap3A_229 = arith.constant 600 : index
    %swap3A_230 = arith.constant 0 : index
    %swap3A_231 = vector.load %arg28[%swap3A_229, %swap3A_230] : memref<3200x128xbf16, #tpu.memory_space<vmem>>, vector<200x128xbf16>
    tpu.vector_store %arg28[%swap3A_229, %swap3A_230], %convert_element_type3A_228 {strides = array<i32>} : memref<3200x128xbf16, #tpu.memory_space<vmem>>, vector<200x128xbf16>,
    %slice3A_232 = vector.extract_strided_slice %convert_element_type3A_53 {offsets = [800, 0], sizes = [200, 128], strides = [1, 1]} : vector<3200x128xbf16> to vector<200x128xbf16>
    %slice3A_233 = vector.extract_strided_slice %convert_element_type3A_65 {offsets = [800, 0], sizes = [200, 128], strides = [1, 1]} : vector<3200x512xbf16> to vector<200x128xbf16>
    %dot_general3A_234 = arith.constant dense<0.000000e+00> : vector<200x200xf32>
    %dot_general3A_235 = tpu.matmul %slice3A_232, %slice3A_233, %dot_general3A_234 {dimension_numbers = #tpu.dot_dimension_numbers<[1], [1], [0], [0], [0, 0, 1, 0], [], []>, transpose_lhs_hint = false} : vector<200x128xbf16>, vector<200x128xbf16>, vector<200x200xf32> -> vector<200x200xf32>
    %exp23A_236 = math.exp2 %dot_general3A_235 : vector<200x200xf32>
    %convert_element_type3A_237 = arith.extf %get3A_68 : vector<200x200xbf16> to vector<200x200xf32>
    %mul3A_238 = arith.mulf %exp23A_236, %convert_element_type3A_237 : vector<200x200xf32>
    %convert_element_type3A_239 = arith.truncf %mul3A_238 : vector<200x200xf32> to vector<200x200xbf16>
    %dot_general3A_240 = arith.constant dense<0.000000e+00> : vector<200x1xf32>
    %dot_general3A_241 = tpu.matmul %convert_element_type3A_239, %broadcast_in_dim3A_70, %dot_general3A_240 {dimension_numbers = #tpu.dot_dimension_numbers<[1], [0], [0], [1], [0, 0, 1, 1], [], []>, transpose_lhs_hint = false} : vector<200x200xbf16>, vector<200x1xbf16>, vector<200x1xf32> -> vector<200x1xf32>
    %slice3A_242 = vector.extract_strided_slice %convert_element_type3A_65 {offsets = [800, 256], sizes = [200, 128], strides = [1, 1]} : vector<3200x512xbf16> to vector<200x128xbf16>
    %dot_general3A_243 = arith.constant dense<0.000000e+00> : vector<200x128xf32>
    %dot_general3A_244 = tpu.matmul %convert_element_type3A_239, %slice3A_242, %dot_general3A_243 {dimension_numbers = #tpu.dot_dimension_numbers<[1], [0], [0], [1], [0, 0, 1, 1], [], []>, transpose_lhs_hint = false} : vector<200x200xbf16>, vector<200x128xbf16>, vector<200x128xf32> -> vector<200x128xf32>
    %div3A_245 = arith.constant 1.000000e+00 : f32
    %div3A_246 = vector.broadcast %div3A_245 : f32 to vector<200x1xf32>
    %div3A_247 = arith.divf %div3A_246, %dot_general3A_241 : vector<200x1xf32>
    %mul3A_248 = vector.broadcast %div3A_247 : vector<200x1xf32> to vector<200x128xf32>
    %mul3A_249 = arith.mulf %dot_general3A_244, %mul3A_248 : vector<200x128xf32>
    %slice3A_250 = vector.extract_strided_slice %convert_element_type3A_53 {offsets = [800, 0], sizes = [200, 128], strides = [1, 1]} : vector<3200x128xbf16> to vector<200x128xbf16>
    %slice3A_251 = vector.extract_strided_slice %convert_element_type3A_65 {offsets = [800, 128], sizes = [200, 128], strides = [1, 1]} : vector<3200x512xbf16> to vector<200x128xbf16>
    %dot_general3A_252 = arith.constant dense<0.000000e+00> : vector<200x200xf32>
    %dot_general3A_253 = tpu.matmul %slice3A_250, %slice3A_251, %dot_general3A_252 {dimension_numbers = #tpu.dot_dimension_numbers<[1], [1], [0], [0], [0, 0, 1, 0], [], []>, transpose_lhs_hint = false} : vector<200x128xbf16>, vector<200x128xbf16>, vector<200x200xf32> -> vector<200x200xf32>
    %exp23A_254 = math.exp2 %dot_general3A_253 : vector<200x200xf32>
    %convert_element_type3A_255 = arith.extf %get3A_68 : vector<200x200xbf16> to vector<200x200xf32>
    %mul3A_256 = arith.mulf %exp23A_254, %convert_element_type3A_255 : vector<200x200xf32>
    %convert_element_type3A_257 = arith.truncf %mul3A_256 : vector<200x200xf32> to vector<200x200xbf16>
    %dot_general3A_258 = arith.constant dense<0.000000e+00> : vector<200x1xf32>
    %dot_general3A_259 = tpu.matmul %convert_element_type3A_257, %broadcast_in_dim3A_70, %dot_general3A_258 {dimension_numbers = #tpu.dot_dimension_numbers<[1], [0], [0], [1], [0, 0, 1, 1], [], []>, transpose_lhs_hint = false} : vector<200x200xbf16>, vector<200x1xbf16>, vector<200x1xf32> -> vector<200x1xf32>
    %slice3A_260 = vector.extract_strided_slice %convert_element_type3A_65 {offsets = [800, 384], sizes = [200, 128], strides = [1, 1]} : vector<3200x512xbf16> to vector<200x128xbf16>
    %dot_general3A_261 = arith.constant dense<0.000000e+00> : vector<200x128xf32>
    %dot_general3A_262 = tpu.matmul %convert_element_type3A_257, %slice3A_260, %dot_general3A_261 {dimension_numbers = #tpu.dot_dimension_numbers<[1], [0], [0], [1], [0, 0, 1, 1], [], []>, transpose_lhs_hint = false} : vector<200x200xbf16>, vector<200x128xbf16>, vector<200x128xf32> -> vector<200x128xf32>
    %div3A_263 = arith.constant 1.000000e+00 : f32
    %div3A_264 = vector.broadcast %div3A_263 : f32 to vector<200x1xf32>
    %div3A_265 = arith.divf %div3A_264, %dot_general3A_259 : vector<200x1xf32>
    %mul3A_266 = vector.broadcast %div3A_265 : vector<200x1xf32> to vector<200x128xf32>
    %mul3A_267 = arith.mulf %dot_general3A_262, %mul3A_266 : vector<200x128xf32>
    %add3A_268 = arith.addf %mul3A_249, %mul3A_267 : vector<200x128xf32>
    %convert_element_type3A_269 = arith.truncf %add3A_268 : vector<200x128xf32> to vector<200x128xbf16>
    %swap3A_270 = arith.constant 800 : index
    %swap3A_271 = arith.constant 0 : index
    %swap3A_272 = vector.load %arg28[%swap3A_270, %swap3A_271] : memref<3200x128xbf16, #tpu.memory_space<vmem>>, vector<200x128xbf16>
    tpu.vector_store %arg28[%swap3A_270, %swap3A_271], %convert_element_type3A_269 {strides = array<i32>} : memref<3200x128xbf16, #tpu.memory_space<vmem>>, vector<200x128xbf16>,
    %slice3A_273 = vector.extract_strided_slice %convert_element_type3A_53 {offsets = [1000, 0], sizes = [200, 128], strides = [1, 1]} : vector<3200x128xbf16> to vector<200x128xbf16>
    %slice3A_274 = vector.extract_strided_slice %convert_element_type3A_65 {offsets = [1000, 0], sizes = [200, 128], strides = [1, 1]} : vector<3200x512xbf16> to vector<200x128xbf16>
    %dot_general3A_275 = arith.constant dense<0.000000e+00> : vector<200x200xf32>
    %dot_general3A_276 = tpu.matmul %slice3A_273, %slice3A_274, %dot_general3A_275 {dimension_numbers = #tpu.dot_dimension_numbers<[1], [1], [0], [0], [0, 0, 1, 0], [], []>, transpose_lhs_hint = false} : vector<200x128xbf16>, vector<200x128xbf16>, vector<200x200xf32> -> vector<200x200xf32>
    %exp23A_277 = math.exp2 %dot_general3A_276 : vector<200x200xf32>
    %convert_element_type3A_278 = arith.extf %get3A_68 : vector<200x200xbf16> to vector<200x200xf32>
    %mul3A_279 = arith.mulf %exp23A_277, %convert_element_type3A_278 : vector<200x200xf32>
    %convert_element_type3A_280 = arith.truncf %mul3A_279 : vector<200x200xf32> to vector<200x200xbf16>
    %dot_general3A_281 = arith.constant dense<0.000000e+00> : vector<200x1xf32>
    %dot_general3A_282 = tpu.matmul %convert_element_type3A_280, %broadcast_in_dim3A_70, %dot_general3A_281 {dimension_numbers = #tpu.dot_dimension_numbers<[1], [0], [0], [1], [0, 0, 1, 1], [], []>, transpose_lhs_hint = false} : vector<200x200xbf16>, vector<200x1xbf16>, vector<200x1xf32> -> vector<200x1xf32>
    %slice3A_283 = vector.extract_strided_slice %convert_element_type3A_65 {offsets = [1000, 256], sizes = [200, 128], strides = [1, 1]} : vector<3200x512xbf16> to vector<200x128xbf16>
    %dot_general3A_284 = arith.constant dense<0.000000e+00> : vector<200x128xf32>
    %dot_general3A_285 = tpu.matmul %convert_element_type3A_280, %slice3A_283, %dot_general3A_284 {dimension_numbers = #tpu.dot_dimension_numbers<[1], [0], [0], [1], [0, 0, 1, 1], [], []>, transpose_lhs_hint = false} : vector<200x200xbf16>, vector<200x128xbf16>, vector<200x128xf32> -> vector<200x128xf32>
    %div3A_286 = arith.constant 1.000000e+00 : f32
    %div3A_287 = vector.broadcast %div3A_286 : f32 to vector<200x1xf32>
    %div3A_288 = arith.divf %div3A_287, %dot_general3A_282 : vector<200x1xf32>
    %mul3A_289 = vector.broadcast %div3A_288 : vector<200x1xf32> to vector<200x128xf32>
    %mul3A_290 = arith.mulf %dot_general3A_285, %mul3A_289 : vector<200x128xf32>
    %slice3A_291 = vector.extract_strided_slice %convert_element_type3A_53 {offsets = [1000, 0], sizes = [200, 128], strides = [1, 1]} : vector<3200x128xbf16> to vector<200x128xbf16>
    %slice3A_292 = vector.extract_strided_slice %convert_element_type3A_65 {offsets = [1000, 128], sizes = [200, 128], strides = [1, 1]} : vector<3200x512xbf16> to vector<200x128xbf16>
    %dot_general3A_293 = arith.constant dense<0.000000e+00> : vector<200x200xf32>
    %dot_general3A_294 = tpu.matmul %slice3A_291, %slice3A_292, %dot_general3A_293 {dimension_numbers = #tpu.dot_dimension_numbers<[1], [1], [0], [0], [0, 0, 1, 0], [], []>, transpose_lhs_hint = false} : vector<200x128xbf16>, vector<200x128xbf16>, vector<200x200xf32> -> vector<200x200xf32>
    %exp23A_295 = math.exp2 %dot_general3A_294 : vector<200x200xf32>
    %convert_element_type3A_296 = arith.extf %get3A_68 : vector<200x200xbf16> to vector<200x200xf32>
    %mul3A_297 = arith.mulf %exp23A_295, %convert_element_type3A_296 : vector<200x200xf32>
    %convert_element_type3A_298 = arith.truncf %mul3A_297 : vector<200x200xf32> to vector<200x200xbf16>
    %dot_general3A_299 = arith.constant dense<0.000000e+00> : vector<200x1xf32>
    %dot_general3A_300 = tpu.matmul %convert_element_type3A_298, %broadcast_in_dim3A_70, %dot_general3A_299 {dimension_numbers = #tpu.dot_dimension_numbers<[1], [0], [0], [1], [0, 0, 1, 1], [], []>, transpose_lhs_hint = false} : vector<200x200xbf16>, vector<200x1xbf16>, vector<200x1xf32> -> vector<200x1xf32>
    %slice3A_301 = vector.extract_strided_slice %convert_element_type3A_65 {offsets = [1000, 384], sizes = [200, 128], strides = [1, 1]} : vector<3200x512xbf16> to vector<200x128xbf16>
    %dot_general3A_302 = arith.constant dense<0.000000e+00> : vector<200x128xf32>
    %dot_general3A_303 = tpu.matmul %convert_element_type3A_298, %slice3A_301, %dot_general3A_302 {dimension_numbers = #tpu.dot_dimension_numbers<[1], [0], [0], [1], [0, 0, 1, 1], [], []>, transpose_lhs_hint = false} : vector<200x200xbf16>, vector<200x128xbf16>, vector<200x128xf32> -> vector<200x128xf32>
    %div3A_304 = arith.constant 1.000000e+00 : f32
    %div3A_305 = vector.broadcast %div3A_304 : f32 to vector<200x1xf32>
    %div3A_306 = arith.divf %div3A_305, %dot_general3A_300 : vector<200x1xf32>
    %mul3A_307 = vector.broadcast %div3A_306 : vector<200x1xf32> to vector<200x128xf32>
    %mul3A_308 = arith.mulf %dot_general3A_303, %mul3A_307 : vector<200x128xf32>
    %add3A_309 = arith.addf %mul3A_290, %mul3A_308 : vector<200x128xf32>
    %convert_element_type3A_310 = arith.truncf %add3A_309 : vector<200x128xf32> to vector<200x128xbf16>
    %swap3A_311 = arith.constant 1000 : index
    %swap3A_312 = arith.constant 0 : index
    %swap3A_313 = vector.load %arg28[%swap3A_311, %swap3A_312] : memref<3200x128xbf16, #tpu.memory_space<vmem>>, vector<200x128xbf16>
    tpu.vector_store %arg28[%swap3A_311, %swap3A_312], %convert_element_type3A_310 {strides = array<i32>} : memref<3200x128xbf16, #tpu.memory_space<vmem>>, vector<200x128xbf16>,
    %slice3A_314 = vector.extract_strided_slice %convert_element_type3A_53 {offsets = [1200, 0], sizes = [200, 128], strides = [1, 1]} : vector<3200x128xbf16> to vector<200x128xbf16>
    %slice3A_315 = vector.extract_strided_slice %convert_element_type3A_65 {offsets = [1200, 0], sizes = [200, 128], strides = [1, 1]} : vector<3200x512xbf16> to vector<200x128xbf16>
    %dot_general3A_316 = arith.constant dense<0.000000e+00> : vector<200x200xf32>
    %dot_general3A_317 = tpu.matmul %slice3A_314, %slice3A_315, %dot_general3A_316 {dimension_numbers = #tpu.dot_dimension_numbers<[1], [1], [0], [0], [0, 0, 1, 0], [], []>, transpose_lhs_hint = false} : vector<200x128xbf16>, vector<200x128xbf16>, vector<200x200xf32> -> vector<200x200xf32>
    %exp23A_318 = math.exp2 %dot_general3A_317 : vector<200x200xf32>
    %convert_element_type3A_319 = arith.extf %get3A_68 : vector<200x200xbf16> to vector<200x200xf32>
    %mul3A_320 = arith.mulf %exp23A_318, %convert_element_type3A_319 : vector<200x200xf32>
    %convert_element_type3A_321 = arith.truncf %mul3A_320 : vector<200x200xf32> to vector<200x200xbf16>
    %dot_general3A_322 = arith.constant dense<0.000000e+00> : vector<200x1xf32>
    %dot_general3A_323 = tpu.matmul %convert_element_type3A_321, %broadcast_in_dim3A_70, %dot_general3A_322 {dimension_numbers = #tpu.dot_dimension_numbers<[1], [0], [0], [1], [0, 0, 1, 1], [], []>, transpose_lhs_hint = false} : vector<200x200xbf16>, vector<200x1xbf16>, vector<200x1xf32> -> vector<200x1xf32>
    %slice3A_324 = vector.extract_strided_slice %convert_element_type3A_65 {offsets = [1200, 256], sizes = [200, 128], strides = [1, 1]} : vector<3200x512xbf16> to vector<200x128xbf16>
    %dot_general3A_325 = arith.constant dense<0.000000e+00> : vector<200x128xf32>
    %dot_general3A_326 = tpu.matmul %convert_element_type3A_321, %slice3A_324, %dot_general3A_325 {dimension_numbers = #tpu.dot_dimension_numbers<[1], [0], [0], [1], [0, 0, 1, 1], [], []>, transpose_lhs_hint = false} : vector<200x200xbf16>, vector<200x128xbf16>, vector<200x128xf32> -> vector<200x128xf32>
    %div3A_327 = arith.constant 1.000000e+00 : f32
    %div3A_328 = vector.broadcast %div3A_327 : f32 to vector<200x1xf32>
    %div3A_329 = arith.divf %div3A_328, %dot_general3A_323 : vector<200x1xf32>
    %mul3A_330 = vector.broadcast %div3A_329 : vector<200x1xf32> to vector<200x128xf32>
    %mul3A_331 = arith.mulf %dot_general3A_326, %mul3A_330 : vector<200x128xf32>
    %slice3A_332 = vector.extract_strided_slice %convert_element_type3A_53 {offsets = [1200, 0], sizes = [200, 128], strides = [1, 1]} : vector<3200x128xbf16> to vector<200x128xbf16>
    %slice3A_333 = vector.extract_strided_slice %convert_element_type3A_65 {offsets = [1200, 128], sizes = [200, 128], strides = [1, 1]} : vector<3200x512xbf16> to vector<200x128xbf16>
    %dot_general3A_334 = arith.constant dense<0.000000e+00> : vector<200x200xf32>
    %dot_general3A_335 = tpu.matmul %slice3A_332, %slice3A_333, %dot_general3A_334 {dimension_numbers = #tpu.dot_dimension_numbers<[1], [1], [0], [0], [0, 0, 1, 0], [], []>, transpose_lhs_hint = false} : vector<200x128xbf16>, vector<200x128xbf16>, vector<200x200xf32> -> vector<200x200xf32>
    %exp23A_336 = math.exp2 %dot_general3A_335 : vector<200x200xf32>
    %convert_element_type3A_337 = arith.extf %get3A_68 : vector<200x200xbf16> to vector<200x200xf32>
    %mul3A_338 = arith.mulf %exp23A_336, %convert_element_type3A_337 : vector<200x200xf32>
    %convert_element_type3A_339 = arith.truncf %mul3A_338 : vector<200x200xf32> to vector<200x200xbf16>
    %dot_general3A_340 = arith.constant dense<0.000000e+00> : vector<200x1xf32>
    %dot_general3A_341 = tpu.matmul %convert_element_type3A_339, %broadcast_in_dim3A_70, %dot_general3A_340 {dimension_numbers = #tpu.dot_dimension_numbers<[1], [0], [0], [1], [0, 0, 1, 1], [], []>, transpose_lhs_hint = false} : vector<200x200xbf16>, vector<200x1xbf16>, vector<200x1xf32> -> vector<200x1xf32>
    %slice3A_342 = vector.extract_strided_slice %convert_element_type3A_65 {offsets = [1200, 384], sizes = [200, 128], strides = [1, 1]} : vector<3200x512xbf16> to vector<200x128xbf16>
    %dot_general3A_343 = arith.constant dense<0.000000e+00> : vector<200x128xf32>
    %dot_general3A_344 = tpu.matmul %convert_element_type3A_339, %slice3A_342, %dot_general3A_343 {dimension_numbers = #tpu.dot_dimension_numbers<[1], [0], [0], [1], [0, 0, 1, 1], [], []>, transpose_lhs_hint = false} : vector<200x200xbf16>, vector<200x128xbf16>, vector<200x128xf32> -> vector<200x128xf32>
    %div3A_345 = arith.constant 1.000000e+00 : f32
    %div3A_346 = vector.broadcast %div3A_345 : f32 to vector<200x1xf32>
    %div3A_347 = arith.divf %div3A_346, %dot_general3A_341 : vector<200x1xf32>
    %mul3A_348 = vector.broadcast %div3A_347 : vector<200x1xf32> to vector<200x128xf32>
    %mul3A_349 = arith.mulf %dot_general3A_344, %mul3A_348 : vector<200x128xf32>
    %add3A_350 = arith.addf %mul3A_331, %mul3A_349 : vector<200x128xf32>
    %convert_element_type3A_351 = arith.truncf %add3A_350 : vector<200x128xf32> to vector<200x128xbf16>
    %swap3A_352 = arith.constant 1200 : index
    %swap3A_353 = arith.constant 0 : index
    %swap3A_354 = vector.load %arg28[%swap3A_352, %swap3A_353] : memref<3200x128xbf16, #tpu.memory_space<vmem>>, vector<200x128xbf16>
    tpu.vector_store %arg28[%swap3A_352, %swap3A_353], %convert_element_type3A_351 {strides = array<i32>} : memref<3200x128xbf16, #tpu.memory_space<vmem>>, vector<200x128xbf16>,
    %slice3A_355 = vector.extract_strided_slice %convert_element_type3A_53 {offsets = [1400, 0], sizes = [200, 128], strides = [1, 1]} : vector<3200x128xbf16> to vector<200x128xbf16>
    %slice3A_356 = vector.extract_strided_slice %convert_element_type3A_65 {offsets = [1400, 0], sizes = [200, 128], strides = [1, 1]} : vector<3200x512xbf16> to vector<200x128xbf16>
    %dot_general3A_357 = arith.constant dense<0.000000e+00> : vector<200x200xf32>
    %dot_general3A_358 = tpu.matmul %slice3A_355, %slice3A_356, %dot_general3A_357 {dimension_numbers = #tpu.dot_dimension_numbers<[1], [1], [0], [0], [0, 0, 1, 0], [], []>, transpose_lhs_hint = false} : vector<200x128xbf16>, vector<200x128xbf16>, vector<200x200xf32> -> vector<200x200xf32>
    %exp23A_359 = math.exp2 %dot_general3A_358 : vector<200x200xf32>
    %convert_element_type3A_360 = arith.extf %get3A_68 : vector<200x200xbf16> to vector<200x200xf32>
    %mul3A_361 = arith.mulf %exp23A_359, %convert_element_type3A_360 : vector<200x200xf32>
    %convert_element_type3A_362 = arith.truncf %mul3A_361 : vector<200x200xf32> to vector<200x200xbf16>
    %dot_general3A_363 = arith.constant dense<0.000000e+00> : vector<200x1xf32>
    %dot_general3A_364 = tpu.matmul %convert_element_type3A_362, %broadcast_in_dim3A_70, %dot_general3A_363 {dimension_numbers = #tpu.dot_dimension_numbers<[1], [0], [0], [1], [0, 0, 1, 1], [], []>, transpose_lhs_hint = false} : vector<200x200xbf16>, vector<200x1xbf16>, vector<200x1xf32> -> vector<200x1xf32>
    %slice3A_365 = vector.extract_strided_slice %convert_element_type3A_65 {offsets = [1400, 256], sizes = [200, 128], strides = [1, 1]} : vector<3200x512xbf16> to vector<200x128xbf16>
    %dot_general3A_366 = arith.constant dense<0.000000e+00> : vector<200x128xf32>
    %dot_general3A_367 = tpu.matmul %convert_element_type3A_362, %slice3A_365, %dot_general3A_366 {dimension_numbers = #tpu.dot_dimension_numbers<[1], [0], [0], [1], [0, 0, 1, 1], [], []>, transpose_lhs_hint = false} : vector<200x200xbf16>, vector<200x128xbf16>, vector<200x128xf32> -> vector<200x128xf32>
    %div3A_368 = arith.constant 1.000000e+00 : f32
    %div3A_369 = vector.broadcast %div3A_368 : f32 to vector<200x1xf32>
    %div3A_370 = arith.divf %div3A_369, %dot_general3A_364 : vector<200x1xf32>
    %mul3A_371 = vector.broadcast %div3A_370 : vector<200x1xf32> to vector<200x128xf32>
    %mul3A_372 = arith.mulf %dot_general3A_367, %mul3A_371 : vector<200x128xf32>
    %slice3A_373 = vector.extract_strided_slice %convert_element_type3A_53 {offsets = [1400, 0], sizes = [200, 128], strides = [1, 1]} : vector<3200x128xbf16> to vector<200x128xbf16>
    %slice3A_374 = vector.extract_strided_slice %convert_element_type3A_65 {offsets = [1400, 128], sizes = [200, 128], strides = [1, 1]} : vector<3200x512xbf16> to vector<200x128xbf16>
    %dot_general3A_375 = arith.constant dense<0.000000e+00> : vector<200x200xf32>
    %dot_general3A_376 = tpu.matmul %slice3A_373, %slice3A_374, %dot_general3A_375 {dimension_numbers = #tpu.dot_dimension_numbers<[1], [1], [0], [0], [0, 0, 1, 0], [], []>, transpose_lhs_hint = false} : vector<200x128xbf16>, vector<200x128xbf16>, vector<200x200xf32> -> vector<200x200xf32>
    %exp23A_377 = math.exp2 %dot_general3A_376 : vector<200x200xf32>
    %convert_element_type3A_378 = arith.extf %get3A_68 : vector<200x200xbf16> to vector<200x200xf32>
    %mul3A_379 = arith.mulf %exp23A_377, %convert_element_type3A_378 : vector<200x200xf32>
    %convert_element_type3A_380 = arith.truncf %mul3A_379 : vector<200x200xf32> to vector<200x200xbf16>
    %dot_general3A_381 = arith.constant dense<0.000000e+00> : vector<200x1xf32>
    %dot_general3A_382 = tpu.matmul %convert_element_type3A_380, %broadcast_in_dim3A_70, %dot_general3A_381 {dimension_numbers = #tpu.dot_dimension_numbers<[1], [0], [0], [1], [0, 0, 1, 1], [], []>, transpose_lhs_hint = false} : vector<200x200xbf16>, vector<200x1xbf16>, vector<200x1xf32> -> vector<200x1xf32>
    %slice3A_383 = vector.extract_strided_slice %convert_element_type3A_65 {offsets = [1400, 384], sizes = [200, 128], strides = [1, 1]} : vector<3200x512xbf16> to vector<200x128xbf16>
    %dot_general3A_384 = arith.constant dense<0.000000e+00> : vector<200x128xf32>
    %dot_general3A_385 = tpu.matmul %convert_element_type3A_380, %slice3A_383, %dot_general3A_384 {dimension_numbers = #tpu.dot_dimension_numbers<[1], [0], [0], [1], [0, 0, 1, 1], [], []>, transpose_lhs_hint = false} : vector<200x200xbf16>, vector<200x128xbf16>, vector<200x128xf32> -> vector<200x128xf32>
    %div3A_386 = arith.constant 1.000000e+00 : f32
    %div3A_387 = vector.broadcast %div3A_386 : f32 to vector<200x1xf32>
    %div3A_388 = arith.divf %div3A_387, %dot_general3A_382 : vector<200x1xf32>
    %mul3A_389 = vector.broadcast %div3A_388 : vector<200x1xf32> to vector<200x128xf32>
    %mul3A_390 = arith.mulf %dot_general3A_385, %mul3A_389 : vector<200x128xf32>
    %add3A_391 = arith.addf %mul3A_372, %mul3A_390 : vector<200x128xf32>
    %convert_element_type3A_392 = arith.truncf %add3A_391 : vector<200x128xf32> to vector<200x128xbf16>
    %swap3A_393 = arith.constant 1400 : index
    %swap3A_394 = arith.constant 0 : index
    %swap3A_395 = vector.load %arg28[%swap3A_393, %swap3A_394] : memref<3200x128xbf16, #tpu.memory_space<vmem>>, vector<200x128xbf16>
    tpu.vector_store %arg28[%swap3A_393, %swap3A_394], %convert_element_type3A_392 {strides = array<i32>} : memref<3200x128xbf16, #tpu.memory_space<vmem>>, vector<200x128xbf16>,
    %slice3A_396 = vector.extract_strided_slice %convert_element_type3A_53 {offsets = [1600, 0], sizes = [200, 128], strides = [1, 1]} : vector<3200x128xbf16> to vector<200x128xbf16>
    %slice3A_397 = vector.extract_strided_slice %convert_element_type3A_65 {offsets = [1600, 0], sizes = [200, 128], strides = [1, 1]} : vector<3200x512xbf16> to vector<200x128xbf16>
    %dot_general3A_398 = arith.constant dense<0.000000e+00> : vector<200x200xf32>
    %dot_general3A_399 = tpu.matmul %slice3A_396, %slice3A_397, %dot_general3A_398 {dimension_numbers = #tpu.dot_dimension_numbers<[1], [1], [0], [0], [0, 0, 1, 0], [], []>, transpose_lhs_hint = false} : vector<200x128xbf16>, vector<200x128xbf16>, vector<200x200xf32> -> vector<200x200xf32>
    %exp23A_400 = math.exp2 %dot_general3A_399 : vector<200x200xf32>
    %convert_element_type3A_401 = arith.extf %get3A_68 : vector<200x200xbf16> to vector<200x200xf32>
    %mul3A_402 = arith.mulf %exp23A_400, %convert_element_type3A_401 : vector<200x200xf32>
    %convert_element_type3A_403 = arith.truncf %mul3A_402 : vector<200x200xf32> to vector<200x200xbf16>
    %dot_general3A_404 = arith.constant dense<0.000000e+00> : vector<200x1xf32>
    %dot_general3A_405 = tpu.matmul %convert_element_type3A_403, %broadcast_in_dim3A_70, %dot_general3A_404 {dimension_numbers = #tpu.dot_dimension_numbers<[1], [0], [0], [1], [0, 0, 1, 1], [], []>, transpose_lhs_hint = false} : vector<200x200xbf16>, vector<200x1xbf16>, vector<200x1xf32> -> vector<200x1xf32>
    %slice3A_406 = vector.extract_strided_slice %convert_element_type3A_65 {offsets = [1600, 256], sizes = [200, 128], strides = [1, 1]} : vector<3200x512xbf16> to vector<200x128xbf16>
    %dot_general3A_407 = arith.constant dense<0.000000e+00> : vector<200x128xf32>
    %dot_general3A_408 = tpu.matmul %convert_element_type3A_403, %slice3A_406, %dot_general3A_407 {dimension_numbers = #tpu.dot_dimension_numbers<[1], [0], [0], [1], [0, 0, 1, 1], [], []>, transpose_lhs_hint = false} : vector<200x200xbf16>, vector<200x128xbf16>, vector<200x128xf32> -> vector<200x128xf32>
    %div3A_409 = arith.constant 1.000000e+00 : f32
    %div3A_410 = vector.broadcast %div3A_409 : f32 to vector<200x1xf32>
    %div3A_411 = arith.divf %div3A_410, %dot_general3A_405 : vector<200x1xf32>
    %mul3A_412 = vector.broadcast %div3A_411 : vector<200x1xf32> to vector<200x128xf32>
    %mul3A_413 = arith.mulf %dot_general3A_408, %mul3A_412 : vector<200x128xf32>
    %slice3A_414 = vector.extract_strided_slice %convert_element_type3A_53 {offsets = [1600, 0], sizes = [200, 128], strides = [1, 1]} : vector<3200x128xbf16> to vector<200x128xbf16>
    %slice3A_415 = vector.extract_strided_slice %convert_element_type3A_65 {offsets = [1600, 128], sizes = [200, 128], strides = [1, 1]} : vector<3200x512xbf16> to vector<200x128xbf16>
    %dot_general3A_416 = arith.constant dense<0.000000e+00> : vector<200x200xf32>
    %dot_general3A_417 = tpu.matmul %slice3A_414, %slice3A_415, %dot_general3A_416 {dimension_numbers = #tpu.dot_dimension_numbers<[1], [1], [0], [0], [0, 0, 1, 0], [], []>, transpose_lhs_hint = false} : vector<200x128xbf16>, vector<200x128xbf16>, vector<200x200xf32> -> vector<200x200xf32>
    %exp23A_418 = math.exp2 %dot_general3A_417 : vector<200x200xf32>
    %convert_element_type3A_419 = arith.extf %get3A_68 : vector<200x200xbf16> to vector<200x200xf32>
    %mul3A_420 = arith.mulf %exp23A_418, %convert_element_type3A_419 : vector<200x200xf32>
    %convert_element_type3A_421 = arith.truncf %mul3A_420 : vector<200x200xf32> to vector<200x200xbf16>
    %dot_general3A_422 = arith.constant dense<0.000000e+00> : vector<200x1xf32>
    %dot_general3A_423 = tpu.matmul %convert_element_type3A_421, %broadcast_in_dim3A_70, %dot_general3A_422 {dimension_numbers = #tpu.dot_dimension_numbers<[1], [0], [0], [1], [0, 0, 1, 1], [], []>, transpose_lhs_hint = false} : vector<200x200xbf16>, vector<200x1xbf16>, vector<200x1xf32> -> vector<200x1xf32>
    %slice3A_424 = vector.extract_strided_slice %convert_element_type3A_65 {offsets = [1600, 384], sizes = [200, 128], strides = [1, 1]} : vector<3200x512xbf16> to vector<200x128xbf16>
    %dot_general3A_425 = arith.constant dense<0.000000e+00> : vector<200x128xf32>
    %dot_general3A_426 = tpu.matmul %convert_element_type3A_421, %slice3A_424, %dot_general3A_425 {dimension_numbers = #tpu.dot_dimension_numbers<[1], [0], [0], [1], [0, 0, 1, 1], [], []>, transpose_lhs_hint = false} : vector<200x200xbf16>, vector<200x128xbf16>, vector<200x128xf32> -> vector<200x128xf32>
    %div3A_427 = arith.constant 1.000000e+00 : f32
    %div3A_428 = vector.broadcast %div3A_427 : f32 to vector<200x1xf32>
    %div3A_429 = arith.divf %div3A_428, %dot_general3A_423 : vector<200x1xf32>
    %mul3A_430 = vector.broadcast %div3A_429 : vector<200x1xf32> to vector<200x128xf32>
    %mul3A_431 = arith.mulf %dot_general3A_426, %mul3A_430 : vector<200x128xf32>
    %add3A_432 = arith.addf %mul3A_413, %mul3A_431 : vector<200x128xf32>
    %convert_element_type3A_433 = arith.truncf %add3A_432 : vector<200x128xf32> to vector<200x128xbf16>
    %swap3A_434 = arith.constant 1600 : index
    %swap3A_435 = arith.constant 0 : index
    %swap3A_436 = vector.load %arg28[%swap3A_434, %swap3A_435] : memref<3200x128xbf16, #tpu.memory_space<vmem>>, vector<200x128xbf16>
    tpu.vector_store %arg28[%swap3A_434, %swap3A_435], %convert_element_type3A_433 {strides = array<i32>} : memref<3200x128xbf16, #tpu.memory_space<vmem>>, vector<200x128xbf16>,
    %slice3A_437 = vector.extract_strided_slice %convert_element_type3A_53 {offsets = [1800, 0], sizes = [200, 128], strides = [1, 1]} : vector<3200x128xbf16> to vector<200x128xbf16>
    %slice3A_438 = vector.extract_strided_slice %convert_element_type3A_65 {offsets = [1800, 0], sizes = [200, 128], strides = [1, 1]} : vector<3200x512xbf16> to vector<200x128xbf16>
    %dot_general3A_439 = arith.constant dense<0.000000e+00> : vector<200x200xf32>
    %dot_general3A_440 = tpu.matmul %slice3A_437, %slice3A_438, %dot_general3A_439 {dimension_numbers = #tpu.dot_dimension_numbers<[1], [1], [0], [0], [0, 0, 1, 0], [], []>, transpose_lhs_hint = false} : vector<200x128xbf16>, vector<200x128xbf16>, vector<200x200xf32> -> vector<200x200xf32>
    %exp23A_441 = math.exp2 %dot_general3A_440 : vector<200x200xf32>
    %convert_element_type3A_442 = arith.extf %get3A_68 : vector<200x200xbf16> to vector<200x200xf32>
    %mul3A_443 = arith.mulf %exp23A_441, %convert_element_type3A_442 : vector<200x200xf32>
    %convert_element_type3A_444 = arith.truncf %mul3A_443 : vector<200x200xf32> to vector<200x200xbf16>
    %dot_general3A_445 = arith.constant dense<0.000000e+00> : vector<200x1xf32>
    %dot_general3A_446 = tpu.matmul %convert_element_type3A_444, %broadcast_in_dim3A_70, %dot_general3A_445 {dimension_numbers = #tpu.dot_dimension_numbers<[1], [0], [0], [1], [0, 0, 1, 1], [], []>, transpose_lhs_hint = false} : vector<200x200xbf16>, vector<200x1xbf16>, vector<200x1xf32> -> vector<200x1xf32>
    %slice3A_447 = vector.extract_strided_slice %convert_element_type3A_65 {offsets = [1800, 256], sizes = [200, 128], strides = [1, 1]} : vector<3200x512xbf16> to vector<200x128xbf16>
    %dot_general3A_448 = arith.constant dense<0.000000e+00> : vector<200x128xf32>
    %dot_general3A_449 = tpu.matmul %convert_element_type3A_444, %slice3A_447, %dot_general3A_448 {dimension_numbers = #tpu.dot_dimension_numbers<[1], [0], [0], [1], [0, 0, 1, 1], [], []>, transpose_lhs_hint = false} : vector<200x200xbf16>, vector<200x128xbf16>, vector<200x128xf32> -> vector<200x128xf32>
    %div3A_450 = arith.constant 1.000000e+00 : f32
    %div3A_451 = vector.broadcast %div3A_450 : f32 to vector<200x1xf32>
    %div3A_452 = arith.divf %div3A_451, %dot_general3A_446 : vector<200x1xf32>
    %mul3A_453 = vector.broadcast %div3A_452 : vector<200x1xf32> to vector<200x128xf32>
    %mul3A_454 = arith.mulf %dot_general3A_449, %mul3A_453 : vector<200x128xf32>
    %slice3A_455 = vector.extract_strided_slice %convert_element_type3A_53 {offsets = [1800, 0], sizes = [200, 128], strides = [1, 1]} : vector<3200x128xbf16> to vector<200x128xbf16>
    %slice3A_456 = vector.extract_strided_slice %convert_element_type3A_65 {offsets = [1800, 128], sizes = [200, 128], strides = [1, 1]} : vector<3200x512xbf16> to vector<200x128xbf16>
    %dot_general3A_457 = arith.constant dense<0.000000e+00> : vector<200x200xf32>
    %dot_general3A_458 = tpu.matmul %slice3A_455, %slice3A_456, %dot_general3A_457 {dimension_numbers = #tpu.dot_dimension_numbers<[1], [1], [0], [0], [0, 0, 1, 0], [], []>, transpose_lhs_hint = false} : vector<200x128xbf16>, vector<200x128xbf16>, vector<200x200xf32> -> vector<200x200xf32>
    %exp23A_459 = math.exp2 %dot_general3A_458 : vector<200x200xf32>
    %convert_element_type3A_460 = arith.extf %get3A_68 : vector<200x200xbf16> to vector<200x200xf32>
    %mul3A_461 = arith.mulf %exp23A_459, %convert_element_type3A_460 : vector<200x200xf32>
    %convert_element_type3A_462 = arith.truncf %mul3A_461 : vector<200x200xf32> to vector<200x200xbf16>
    %dot_general3A_463 = arith.constant dense<0.000000e+00> : vector<200x1xf32>
    %dot_general3A_464 = tpu.matmul %convert_element_type3A_462, %broadcast_in_dim3A_70, %dot_general3A_463 {dimension_numbers = #tpu.dot_dimension_numbers<[1], [0], [0], [1], [0, 0, 1, 1], [], []>, transpose_lhs_hint = false} : vector<200x200xbf16>, vector<200x1xbf16>, vector<200x1xf32> -> vector<200x1xf32>
    %slice3A_465 = vector.extract_strided_slice %convert_element_type3A_65 {offsets = [1800, 384], sizes = [200, 128], strides = [1, 1]} : vector<3200x512xbf16> to vector<200x128xbf16>
    %dot_general3A_466 = arith.constant dense<0.000000e+00> : vector<200x128xf32>
    %dot_general3A_467 = tpu.matmul %convert_element_type3A_462, %slice3A_465, %dot_general3A_466 {dimension_numbers = #tpu.dot_dimension_numbers<[1], [0], [0], [1], [0, 0, 1, 1], [], []>, transpose_lhs_hint = false} : vector<200x200xbf16>, vector<200x128xbf16>, vector<200x128xf32> -> vector<200x128xf32>
    %div3A_468 = arith.constant 1.000000e+00 : f32
    %div3A_469 = vector.broadcast %div3A_468 : f32 to vector<200x1xf32>
    %div3A_470 = arith.divf %div3A_469, %dot_general3A_464 : vector<200x1xf32>
    %mul3A_471 = vector.broadcast %div3A_470 : vector<200x1xf32> to vector<200x128xf32>
    %mul3A_472 = arith.mulf %dot_general3A_467, %mul3A_471 : vector<200x128xf32>
    %add3A_473 = arith.addf %mul3A_454, %mul3A_472 : vector<200x128xf32>
    %convert_element_type3A_474 = arith.truncf %add3A_473 : vector<200x128xf32> to vector<200x128xbf16>
    %swap3A_475 = arith.constant 1800 : index
    %swap3A_476 = arith.constant 0 : index
    %swap3A_477 = vector.load %arg28[%swap3A_475, %swap3A_476] : memref<3200x128xbf16, #tpu.memory_space<vmem>>, vector<200x128xbf16>
    tpu.vector_store %arg28[%swap3A_475, %swap3A_476], %convert_element_type3A_474 {strides = array<i32>} : memref<3200x128xbf16, #tpu.memory_space<vmem>>, vector<200x128xbf16>,
    %slice3A_478 = vector.extract_strided_slice %convert_element_type3A_53 {offsets = [2000, 0], sizes = [200, 128], strides = [1, 1]} : vector<3200x128xbf16> to vector<200x128xbf16>
    %slice3A_479 = vector.extract_strided_slice %convert_element_type3A_65 {offsets = [2000, 0], sizes = [200, 128], strides = [1, 1]} : vector<3200x512xbf16> to vector<200x128xbf16>
    %dot_general3A_480 = arith.constant dense<0.000000e+00> : vector<200x200xf32>
    %dot_general3A_481 = tpu.matmul %slice3A_478, %slice3A_479, %dot_general3A_480 {dimension_numbers = #tpu.dot_dimension_numbers<[1], [1], [0], [0], [0, 0, 1, 0], [], []>, transpose_lhs_hint = false} : vector<200x128xbf16>, vector<200x128xbf16>, vector<200x200xf32> -> vector<200x200xf32>
    %exp23A_482 = math.exp2 %dot_general3A_481 : vector<200x200xf32>
    %convert_element_type3A_483 = arith.extf %get3A_68 : vector<200x200xbf16> to vector<200x200xf32>
    %mul3A_484 = arith.mulf %exp23A_482, %convert_element_type3A_483 : vector<200x200xf32>
    %convert_element_type3A_485 = arith.truncf %mul3A_484 : vector<200x200xf32> to vector<200x200xbf16>
    %dot_general3A_486 = arith.constant dense<0.000000e+00> : vector<200x1xf32>
    %dot_general3A_487 = tpu.matmul %convert_element_type3A_485, %broadcast_in_dim3A_70, %dot_general3A_486 {dimension_numbers = #tpu.dot_dimension_numbers<[1], [0], [0], [1], [0, 0, 1, 1], [], []>, transpose_lhs_hint = false} : vector<200x200xbf16>, vector<200x1xbf16>, vector<200x1xf32> -> vector<200x1xf32>
    %slice3A_488 = vector.extract_strided_slice %convert_element_type3A_65 {offsets = [2000, 256], sizes = [200, 128], strides = [1, 1]} : vector<3200x512xbf16> to vector<200x128xbf16>
    %dot_general3A_489 = arith.constant dense<0.000000e+00> : vector<200x128xf32>
    %dot_general3A_490 = tpu.matmul %convert_element_type3A_485, %slice3A_488, %dot_general3A_489 {dimension_numbers = #tpu.dot_dimension_numbers<[1], [0], [0], [1], [0, 0, 1, 1], [], []>, transpose_lhs_hint = false} : vector<200x200xbf16>, vector<200x128xbf16>, vector<200x128xf32> -> vector<200x128xf32>
    %div3A_491 = arith.constant 1.000000e+00 : f32
    %div3A_492 = vector.broadcast %div3A_491 : f32 to vector<200x1xf32>
    %div3A_493 = arith.divf %div3A_492, %dot_general3A_487 : vector<200x1xf32>
    %mul3A_494 = vector.broadcast %div3A_493 : vector<200x1xf32> to vector<200x128xf32>
    %mul3A_495 = arith.mulf %dot_general3A_490, %mul3A_494 : vector<200x128xf32>
    %slice3A_496 = vector.extract_strided_slice %convert_element_type3A_53 {offsets = [2000, 0], sizes = [200, 128], strides = [1, 1]} : vector<3200x128xbf16> to vector<200x128xbf16>
    %slice3A_497 = vector.extract_strided_slice %convert_element_type3A_65 {offsets = [2000, 128], sizes = [200, 128], strides = [1, 1]} : vector<3200x512xbf16> to vector<200x128xbf16>
    %dot_general3A_498 = arith.constant dense<0.000000e+00> : vector<200x200xf32>
    %dot_general3A_499 = tpu.matmul %slice3A_496, %slice3A_497, %dot_general3A_498 {dimension_numbers = #tpu.dot_dimension_numbers<[1], [1], [0], [0], [0, 0, 1, 0], [], []>, transpose_lhs_hint = false} : vector<200x128xbf16>, vector<200x128xbf16>, vector<200x200xf32> -> vector<200x200xf32>
    %exp23A_500 = math.exp2 %dot_general3A_499 : vector<200x200xf32>
    %convert_element_type3A_501 = arith.extf %get3A_68 : vector<200x200xbf16> to vector<200x200xf32>
    %mul3A_502 = arith.mulf %exp23A_500, %convert_element_type3A_501 : vector<200x200xf32>
    %convert_element_type3A_503 = arith.truncf %mul3A_502 : vector<200x200xf32> to vector<200x200xbf16>
    %dot_general3A_504 = arith.constant dense<0.000000e+00> : vector<200x1xf32>
    %dot_general3A_505 = tpu.matmul %convert_element_type3A_503, %broadcast_in_dim3A_70, %dot_general3A_504 {dimension_numbers = #tpu.dot_dimension_numbers<[1], [0], [0], [1], [0, 0, 1, 1], [], []>, transpose_lhs_hint = false} : vector<200x200xbf16>, vector<200x1xbf16>, vector<200x1xf32> -> vector<200x1xf32>
    %slice3A_506 = vector.extract_strided_slice %convert_element_type3A_65 {offsets = [2000, 384], sizes = [200, 128], strides = [1, 1]} : vector<3200x512xbf16> to vector<200x128xbf16>
    %dot_general3A_507 = arith.constant dense<0.000000e+00> : vector<200x128xf32>
    %dot_general3A_508 = tpu.matmul %convert_element_type3A_503, %slice3A_506, %dot_general3A_507 {dimension_numbers = #tpu.dot_dimension_numbers<[1], [0], [0], [1], [0, 0, 1, 1], [], []>, transpose_lhs_hint = false} : vector<200x200xbf16>, vector<200x128xbf16>, vector<200x128xf32> -> vector<200x128xf32>
    %div3A_509 = arith.constant 1.000000e+00 : f32
    %div3A_510 = vector.broadcast %div3A_509 : f32 to vector<200x1xf32>
    %div3A_511 = arith.divf %div3A_510, %dot_general3A_505 : vector<200x1xf32>
    %mul3A_512 = vector.broadcast %div3A_511 : vector<200x1xf32> to vector<200x128xf32>
    %mul3A_513 = arith.mulf %dot_general3A_508, %mul3A_512 : vector<200x128xf32>
    %add3A_514 = arith.addf %mul3A_495, %mul3A_513 : vector<200x128xf32>
    %convert_element_type3A_515 = arith.truncf %add3A_514 : vector<200x128xf32> to vector<200x128xbf16>
    %swap3A_516 = arith.constant 2000 : index
    %swap3A_517 = arith.constant 0 : index
    %swap3A_518 = vector.load %arg28[%swap3A_516, %swap3A_517] : memref<3200x128xbf16, #tpu.memory_space<vmem>>, vector<200x128xbf16>
    tpu.vector_store %arg28[%swap3A_516, %swap3A_517], %convert_element_type3A_515 {strides = array<i32>} : memref<3200x128xbf16, #tpu.memory_space<vmem>>, vector<200x128xbf16>,
    %slice3A_519 = vector.extract_strided_slice %convert_element_type3A_53 {offsets = [2200, 0], sizes = [200, 128], strides = [1, 1]} : vector<3200x128xbf16> to vector<200x128xbf16>
    %slice3A_520 = vector.extract_strided_slice %convert_element_type3A_65 {offsets = [2200, 0], sizes = [200, 128], strides = [1, 1]} : vector<3200x512xbf16> to vector<200x128xbf16>
    %dot_general3A_521 = arith.constant dense<0.000000e+00> : vector<200x200xf32>
    %dot_general3A_522 = tpu.matmul %slice3A_519, %slice3A_520, %dot_general3A_521 {dimension_numbers = #tpu.dot_dimension_numbers<[1], [1], [0], [0], [0, 0, 1, 0], [], []>, transpose_lhs_hint = false} : vector<200x128xbf16>, vector<200x128xbf16>, vector<200x200xf32> -> vector<200x200xf32>
    %exp23A_523 = math.exp2 %dot_general3A_522 : vector<200x200xf32>
    %convert_element_type3A_524 = arith.extf %get3A_68 : vector<200x200xbf16> to vector<200x200xf32>
    %mul3A_525 = arith.mulf %exp23A_523, %convert_element_type3A_524 : vector<200x200xf32>
    %convert_element_type3A_526 = arith.truncf %mul3A_525 : vector<200x200xf32> to vector<200x200xbf16>
    %dot_general3A_527 = arith.constant dense<0.000000e+00> : vector<200x1xf32>
    %dot_general3A_528 = tpu.matmul %convert_element_type3A_526, %broadcast_in_dim3A_70, %dot_general3A_527 {dimension_numbers = #tpu.dot_dimension_numbers<[1], [0], [0], [1], [0, 0, 1, 1], [], []>, transpose_lhs_hint = false} : vector<200x200xbf16>, vector<200x1xbf16>, vector<200x1xf32> -> vector<200x1xf32>
    %slice3A_529 = vector.extract_strided_slice %convert_element_type3A_65 {offsets = [2200, 256], sizes = [200, 128], strides = [1, 1]} : vector<3200x512xbf16> to vector<200x128xbf16>
    %dot_general3A_530 = arith.constant dense<0.000000e+00> : vector<200x128xf32>
    %dot_general3A_531 = tpu.matmul %convert_element_type3A_526, %slice3A_529, %dot_general3A_530 {dimension_numbers = #tpu.dot_dimension_numbers<[1], [0], [0], [1], [0, 0, 1, 1], [], []>, transpose_lhs_hint = false} : vector<200x200xbf16>, vector<200x128xbf16>, vector<200x128xf32> -> vector<200x128xf32>
    %div3A_532 = arith.constant 1.000000e+00 : f32
    %div3A_533 = vector.broadcast %div3A_532 : f32 to vector<200x1xf32>
    %div3A_534 = arith.divf %div3A_533, %dot_general3A_528 : vector<200x1xf32>
    %mul3A_535 = vector.broadcast %div3A_534 : vector<200x1xf32> to vector<200x128xf32>
    %mul3A_536 = arith.mulf %dot_general3A_531, %mul3A_535 : vector<200x128xf32>
    %slice3A_537 = vector.extract_strided_slice %convert_element_type3A_53 {offsets = [2200, 0], sizes = [200, 128], strides = [1, 1]} : vector<3200x128xbf16> to vector<200x128xbf16>
    %slice3A_538 = vector.extract_strided_slice %convert_element_type3A_65 {offsets = [2200, 128], sizes = [200, 128], strides = [1, 1]} : vector<3200x512xbf16> to vector<200x128xbf16>
    %dot_general3A_539 = arith.constant dense<0.000000e+00> : vector<200x200xf32>
    %dot_general3A_540 = tpu.matmul %slice3A_537, %slice3A_538, %dot_general3A_539 {dimension_numbers = #tpu.dot_dimension_numbers<[1], [1], [0], [0], [0, 0, 1, 0], [], []>, transpose_lhs_hint = false} : vector<200x128xbf16>, vector<200x128xbf16>, vector<200x200xf32> -> vector<200x200xf32>
    %exp23A_541 = math.exp2 %dot_general3A_540 : vector<200x200xf32>
    %convert_element_type3A_542 = arith.extf %get3A_68 : vector<200x200xbf16> to vector<200x200xf32>
    %mul3A_543 = arith.mulf %exp23A_541, %convert_element_type3A_542 : vector<200x200xf32>
    %convert_element_type3A_544 = arith.truncf %mul3A_543 : vector<200x200xf32> to vector<200x200xbf16>
    %dot_general3A_545 = arith.constant dense<0.000000e+00> : vector<200x1xf32>
    %dot_general3A_546 = tpu.matmul %convert_element_type3A_544, %broadcast_in_dim3A_70, %dot_general3A_545 {dimension_numbers = #tpu.dot_dimension_numbers<[1], [0], [0], [1], [0, 0, 1, 1], [], []>, transpose_lhs_hint = false} : vector<200x200xbf16>, vector<200x1xbf16>, vector<200x1xf32> -> vector<200x1xf32>
    %slice3A_547 = vector.extract_strided_slice %convert_element_type3A_65 {offsets = [2200, 384], sizes = [200, 128], strides = [1, 1]} : vector<3200x512xbf16> to vector<200x128xbf16>
    %dot_general3A_548 = arith.constant dense<0.000000e+00> : vector<200x128xf32>
    %dot_general3A_549 = tpu.matmul %convert_element_type3A_544, %slice3A_547, %dot_general3A_548 {dimension_numbers = #tpu.dot_dimension_numbers<[1], [0], [0], [1], [0, 0, 1, 1], [], []>, transpose_lhs_hint = false} : vector<200x200xbf16>, vector<200x128xbf16>, vector<200x128xf32> -> vector<200x128xf32>
    %div3A_550 = arith.constant 1.000000e+00 : f32
    %div3A_551 = vector.broadcast %div3A_550 : f32 to vector<200x1xf32>
    %div3A_552 = arith.divf %div3A_551, %dot_general3A_546 : vector<200x1xf32>
    %mul3A_553 = vector.broadcast %div3A_552 : vector<200x1xf32> to vector<200x128xf32>
    %mul3A_554 = arith.mulf %dot_general3A_549, %mul3A_553 : vector<200x128xf32>
    %add3A_555 = arith.addf %mul3A_536, %mul3A_554 : vector<200x128xf32>
    %convert_element_type3A_556 = arith.truncf %add3A_555 : vector<200x128xf32> to vector<200x128xbf16>
    %swap3A_557 = arith.constant 2200 : index
    %swap3A_558 = arith.constant 0 : index
    %swap3A_559 = vector.load %arg28[%swap3A_557, %swap3A_558] : memref<3200x128xbf16, #tpu.memory_space<vmem>>, vector<200x128xbf16>
    tpu.vector_store %arg28[%swap3A_557, %swap3A_558], %convert_element_type3A_556 {strides = array<i32>} : memref<3200x128xbf16, #tpu.memory_space<vmem>>, vector<200x128xbf16>,
    %slice3A_560 = vector.extract_strided_slice %convert_element_type3A_53 {offsets = [2400, 0], sizes = [200, 128], strides = [1, 1]} : vector<3200x128xbf16> to vector<200x128xbf16>
    %slice3A_561 = vector.extract_strided_slice %convert_element_type3A_65 {offsets = [2400, 0], sizes = [200, 128], strides = [1, 1]} : vector<3200x512xbf16> to vector<200x128xbf16>
    %dot_general3A_562 = arith.constant dense<0.000000e+00> : vector<200x200xf32>
    %dot_general3A_563 = tpu.matmul %slice3A_560, %slice3A_561, %dot_general3A_562 {dimension_numbers = #tpu.dot_dimension_numbers<[1], [1], [0], [0], [0, 0, 1, 0], [], []>, transpose_lhs_hint = false} : vector<200x128xbf16>, vector<200x128xbf16>, vector<200x200xf32> -> vector<200x200xf32>
    %exp23A_564 = math.exp2 %dot_general3A_563 : vector<200x200xf32>
    %convert_element_type3A_565 = arith.extf %get3A_68 : vector<200x200xbf16> to vector<200x200xf32>
    %mul3A_566 = arith.mulf %exp23A_564, %convert_element_type3A_565 : vector<200x200xf32>
    %convert_element_type3A_567 = arith.truncf %mul3A_566 : vector<200x200xf32> to vector<200x200xbf16>
    %dot_general3A_568 = arith.constant dense<0.000000e+00> : vector<200x1xf32>
    %dot_general3A_569 = tpu.matmul %convert_element_type3A_567, %broadcast_in_dim3A_70, %dot_general3A_568 {dimension_numbers = #tpu.dot_dimension_numbers<[1], [0], [0], [1], [0, 0, 1, 1], [], []>, transpose_lhs_hint = false} : vector<200x200xbf16>, vector<200x1xbf16>, vector<200x1xf32> -> vector<200x1xf32>
    %slice3A_570 = vector.extract_strided_slice %convert_element_type3A_65 {offsets = [2400, 256], sizes = [200, 128], strides = [1, 1]} : vector<3200x512xbf16> to vector<200x128xbf16>
    %dot_general3A_571 = arith.constant dense<0.000000e+00> : vector<200x128xf32>
    %dot_general3A_572 = tpu.matmul %convert_element_type3A_567, %slice3A_570, %dot_general3A_571 {dimension_numbers = #tpu.dot_dimension_numbers<[1], [0], [0], [1], [0, 0, 1, 1], [], []>, transpose_lhs_hint = false} : vector<200x200xbf16>, vector<200x128xbf16>, vector<200x128xf32> -> vector<200x128xf32>
    %div3A_573 = arith.constant 1.000000e+00 : f32
    %div3A_574 = vector.broadcast %div3A_573 : f32 to vector<200x1xf32>
    %div3A_575 = arith.divf %div3A_574, %dot_general3A_569 : vector<200x1xf32>
    %mul3A_576 = vector.broadcast %div3A_575 : vector<200x1xf32> to vector<200x128xf32>
    %mul3A_577 = arith.mulf %dot_general3A_572, %mul3A_576 : vector<200x128xf32>
    %slice3A_578 = vector.extract_strided_slice %convert_element_type3A_53 {offsets = [2400, 0], sizes = [200, 128], strides = [1, 1]} : vector<3200x128xbf16> to vector<200x128xbf16>
    %slice3A_579 = vector.extract_strided_slice %convert_element_type3A_65 {offsets = [2400, 128], sizes = [200, 128], strides = [1, 1]} : vector<3200x512xbf16> to vector<200x128xbf16>
    %dot_general3A_580 = arith.constant dense<0.000000e+00> : vector<200x200xf32>
    %dot_general3A_581 = tpu.matmul %slice3A_578, %slice3A_579, %dot_general3A_580 {dimension_numbers = #tpu.dot_dimension_numbers<[1], [1], [0], [0], [0, 0, 1, 0], [], []>, transpose_lhs_hint = false} : vector<200x128xbf16>, vector<200x128xbf16>, vector<200x200xf32> -> vector<200x200xf32>
    %exp23A_582 = math.exp2 %dot_general3A_581 : vector<200x200xf32>
    %convert_element_type3A_583 = arith.extf %get3A_68 : vector<200x200xbf16> to vector<200x200xf32>
    %mul3A_584 = arith.mulf %exp23A_582, %convert_element_type3A_583 : vector<200x200xf32>
    %convert_element_type3A_585 = arith.truncf %mul3A_584 : vector<200x200xf32> to vector<200x200xbf16>
    %dot_general3A_586 = arith.constant dense<0.000000e+00> : vector<200x1xf32>
    %dot_general3A_587 = tpu.matmul %convert_element_type3A_585, %broadcast_in_dim3A_70, %dot_general3A_586 {dimension_numbers = #tpu.dot_dimension_numbers<[1], [0], [0], [1], [0, 0, 1, 1], [], []>, transpose_lhs_hint = false} : vector<200x200xbf16>, vector<200x1xbf16>, vector<200x1xf32> -> vector<200x1xf32>
    %slice3A_588 = vector.extract_strided_slice %convert_element_type3A_65 {offsets = [2400, 384], sizes = [200, 128], strides = [1, 1]} : vector<3200x512xbf16> to vector<200x128xbf16>
    %dot_general3A_589 = arith.constant dense<0.000000e+00> : vector<200x128xf32>
    %dot_general3A_590 = tpu.matmul %convert_element_type3A_585, %slice3A_588, %dot_general3A_589 {dimension_numbers = #tpu.dot_dimension_numbers<[1], [0], [0], [1], [0, 0, 1, 1], [], []>, transpose_lhs_hint = false} : vector<200x200xbf16>, vector<200x128xbf16>, vector<200x128xf32> -> vector<200x128xf32>
    %div3A_591 = arith.constant 1.000000e+00 : f32
    %div3A_592 = vector.broadcast %div3A_591 : f32 to vector<200x1xf32>
    %div3A_593 = arith.divf %div3A_592, %dot_general3A_587 : vector<200x1xf32>
    %mul3A_594 = vector.broadcast %div3A_593 : vector<200x1xf32> to vector<200x128xf32>
    %mul3A_595 = arith.mulf %dot_general3A_590, %mul3A_594 : vector<200x128xf32>
    %add3A_596 = arith.addf %mul3A_577, %mul3A_595 : vector<200x128xf32>
    %convert_element_type3A_597 = arith.truncf %add3A_596 : vector<200x128xf32> to vector<200x128xbf16>
    %swap3A_598 = arith.constant 2400 : index
    %swap3A_599 = arith.constant 0 : index
    %swap3A_600 = vector.load %arg28[%swap3A_598, %swap3A_599] : memref<3200x128xbf16, #tpu.memory_space<vmem>>, vector<200x128xbf16>
    tpu.vector_store %arg28[%swap3A_598, %swap3A_599], %convert_element_type3A_597 {strides = array<i32>} : memref<3200x128xbf16, #tpu.memory_space<vmem>>, vector<200x128xbf16>,
    %slice3A_601 = vector.extract_strided_slice %convert_element_type3A_53 {offsets = [2600, 0], sizes = [200, 128], strides = [1, 1]} : vector<3200x128xbf16> to vector<200x128xbf16>
    %slice3A_602 = vector.extract_strided_slice %convert_element_type3A_65 {offsets = [2600, 0], sizes = [200, 128], strides = [1, 1]} : vector<3200x512xbf16> to vector<200x128xbf16>
    %dot_general3A_603 = arith.constant dense<0.000000e+00> : vector<200x200xf32>
    %dot_general3A_604 = tpu.matmul %slice3A_601, %slice3A_602, %dot_general3A_603 {dimension_numbers = #tpu.dot_dimension_numbers<[1], [1], [0], [0], [0, 0, 1, 0], [], []>, transpose_lhs_hint = false} : vector<200x128xbf16>, vector<200x128xbf16>, vector<200x200xf32> -> vector<200x200xf32>
    %exp23A_605 = math.exp2 %dot_general3A_604 : vector<200x200xf32>
    %convert_element_type3A_606 = arith.extf %get3A_68 : vector<200x200xbf16> to vector<200x200xf32>
    %mul3A_607 = arith.mulf %exp23A_605, %convert_element_type3A_606 : vector<200x200xf32>
    %convert_element_type3A_608 = arith.truncf %mul3A_607 : vector<200x200xf32> to vector<200x200xbf16>
    %dot_general3A_609 = arith.constant dense<0.000000e+00> : vector<200x1xf32>
    %dot_general3A_610 = tpu.matmul %convert_element_type3A_608, %broadcast_in_dim3A_70, %dot_general3A_609 {dimension_numbers = #tpu.dot_dimension_numbers<[1], [0], [0], [1], [0, 0, 1, 1], [], []>, transpose_lhs_hint = false} : vector<200x200xbf16>, vector<200x1xbf16>, vector<200x1xf32> -> vector<200x1xf32>
    %slice3A_611 = vector.extract_strided_slice %convert_element_type3A_65 {offsets = [2600, 256], sizes = [200, 128], strides = [1, 1]} : vector<3200x512xbf16> to vector<200x128xbf16>
    %dot_general3A_612 = arith.constant dense<0.000000e+00> : vector<200x128xf32>
    %dot_general3A_613 = tpu.matmul %convert_element_type3A_608, %slice3A_611, %dot_general3A_612 {dimension_numbers = #tpu.dot_dimension_numbers<[1], [0], [0], [1], [0, 0, 1, 1], [], []>, transpose_lhs_hint = false} : vector<200x200xbf16>, vector<200x128xbf16>, vector<200x128xf32> -> vector<200x128xf32>
    %div3A_614 = arith.constant 1.000000e+00 : f32
    %div3A_615 = vector.broadcast %div3A_614 : f32 to vector<200x1xf32>
    %div3A_616 = arith.divf %div3A_615, %dot_general3A_610 : vector<200x1xf32>
    %mul3A_617 = vector.broadcast %div3A_616 : vector<200x1xf32> to vector<200x128xf32>
    %mul3A_618 = arith.mulf %dot_general3A_613, %mul3A_617 : vector<200x128xf32>
    %slice3A_619 = vector.extract_strided_slice %convert_element_type3A_53 {offsets = [2600, 0], sizes = [200, 128], strides = [1, 1]} : vector<3200x128xbf16> to vector<200x128xbf16>
    %slice3A_620 = vector.extract_strided_slice %convert_element_type3A_65 {offsets = [2600, 128], sizes = [200, 128], strides = [1, 1]} : vector<3200x512xbf16> to vector<200x128xbf16>
    %dot_general3A_621 = arith.constant dense<0.000000e+00> : vector<200x200xf32>
    %dot_general3A_622 = tpu.matmul %slice3A_619, %slice3A_620, %dot_general3A_621 {dimension_numbers = #tpu.dot_dimension_numbers<[1], [1], [0], [0], [0, 0, 1, 0], [], []>, transpose_lhs_hint = false} : vector<200x128xbf16>, vector<200x128xbf16>, vector<200x200xf32> -> vector<200x200xf32>
    %exp23A_623 = math.exp2 %dot_general3A_622 : vector<200x200xf32>
    %convert_element_type3A_624 = arith.extf %get3A_68 : vector<200x200xbf16> to vector<200x200xf32>
    %mul3A_625 = arith.mulf %exp23A_623, %convert_element_type3A_624 : vector<200x200xf32>
    %convert_element_type3A_626 = arith.truncf %mul3A_625 : vector<200x200xf32> to vector<200x200xbf16>
    %dot_general3A_627 = arith.constant dense<0.000000e+00> : vector<200x1xf32>
    %dot_general3A_628 = tpu.matmul %convert_element_type3A_626, %broadcast_in_dim3A_70, %dot_general3A_627 {dimension_numbers = #tpu.dot_dimension_numbers<[1], [0], [0], [1], [0, 0, 1, 1], [], []>, transpose_lhs_hint = false} : vector<200x200xbf16>, vector<200x1xbf16>, vector<200x1xf32> -> vector<200x1xf32>
    %slice3A_629 = vector.extract_strided_slice %convert_element_type3A_65 {offsets = [2600, 384], sizes = [200, 128], strides = [1, 1]} : vector<3200x512xbf16> to vector<200x128xbf16>
    %dot_general3A_630 = arith.constant dense<0.000000e+00> : vector<200x128xf32>
    %dot_general3A_631 = tpu.matmul %convert_element_type3A_626, %slice3A_629, %dot_general3A_630 {dimension_numbers = #tpu.dot_dimension_numbers<[1], [0], [0], [1], [0, 0, 1, 1], [], []>, transpose_lhs_hint = false} : vector<200x200xbf16>, vector<200x128xbf16>, vector<200x128xf32> -> vector<200x128xf32>
    %div3A_632 = arith.constant 1.000000e+00 : f32
    %div3A_633 = vector.broadcast %div3A_632 : f32 to vector<200x1xf32>
    %div3A_634 = arith.divf %div3A_633, %dot_general3A_628 : vector<200x1xf32>
    %mul3A_635 = vector.broadcast %div3A_634 : vector<200x1xf32> to vector<200x128xf32>
    %mul3A_636 = arith.mulf %dot_general3A_631, %mul3A_635 : vector<200x128xf32>
    %add3A_637 = arith.addf %mul3A_618, %mul3A_636 : vector<200x128xf32>
    %convert_element_type3A_638 = arith.truncf %add3A_637 : vector<200x128xf32> to vector<200x128xbf16>
    %swap3A_639 = arith.constant 2600 : index
    %swap3A_640 = arith.constant 0 : index
    %swap3A_641 = vector.load %arg28[%swap3A_639, %swap3A_640] : memref<3200x128xbf16, #tpu.memory_space<vmem>>, vector<200x128xbf16>
    tpu.vector_store %arg28[%swap3A_639, %swap3A_640], %convert_element_type3A_638 {strides = array<i32>} : memref<3200x128xbf16, #tpu.memory_space<vmem>>, vector<200x128xbf16>,
    %slice3A_642 = vector.extract_strided_slice %convert_element_type3A_53 {offsets = [2800, 0], sizes = [200, 128], strides = [1, 1]} : vector<3200x128xbf16> to vector<200x128xbf16>
    %slice3A_643 = vector.extract_strided_slice %convert_element_type3A_65 {offsets = [2800, 0], sizes = [200, 128], strides = [1, 1]} : vector<3200x512xbf16> to vector<200x128xbf16>
    %dot_general3A_644 = arith.constant dense<0.000000e+00> : vector<200x200xf32>
    %dot_general3A_645 = tpu.matmul %slice3A_642, %slice3A_643, %dot_general3A_644 {dimension_numbers = #tpu.dot_dimension_numbers<[1], [1], [0], [0], [0, 0, 1, 0], [], []>, transpose_lhs_hint = false} : vector<200x128xbf16>, vector<200x128xbf16>, vector<200x200xf32> -> vector<200x200xf32>
    %exp23A_646 = math.exp2 %dot_general3A_645 : vector<200x200xf32>
    %convert_element_type3A_647 = arith.extf %get3A_68 : vector<200x200xbf16> to vector<200x200xf32>
    %mul3A_648 = arith.mulf %exp23A_646, %convert_element_type3A_647 : vector<200x200xf32>
    %convert_element_type3A_649 = arith.truncf %mul3A_648 : vector<200x200xf32> to vector<200x200xbf16>
    %dot_general3A_650 = arith.constant dense<0.000000e+00> : vector<200x1xf32>
    %dot_general3A_651 = tpu.matmul %convert_element_type3A_649, %broadcast_in_dim3A_70, %dot_general3A_650 {dimension_numbers = #tpu.dot_dimension_numbers<[1], [0], [0], [1], [0, 0, 1, 1], [], []>, transpose_lhs_hint = false} : vector<200x200xbf16>, vector<200x1xbf16>, vector<200x1xf32> -> vector<200x1xf32>
    %slice3A_652 = vector.extract_strided_slice %convert_element_type3A_65 {offsets = [2800, 256], sizes = [200, 128], strides = [1, 1]} : vector<3200x512xbf16> to vector<200x128xbf16>
    %dot_general3A_653 = arith.constant dense<0.000000e+00> : vector<200x128xf32>
    %dot_general3A_654 = tpu.matmul %convert_element_type3A_649, %slice3A_652, %dot_general3A_653 {dimension_numbers = #tpu.dot_dimension_numbers<[1], [0], [0], [1], [0, 0, 1, 1], [], []>, transpose_lhs_hint = false} : vector<200x200xbf16>, vector<200x128xbf16>, vector<200x128xf32> -> vector<200x128xf32>
    %div3A_655 = arith.constant 1.000000e+00 : f32
    %div3A_656 = vector.broadcast %div3A_655 : f32 to vector<200x1xf32>
    %div3A_657 = arith.divf %div3A_656, %dot_general3A_651 : vector<200x1xf32>
    %mul3A_658 = vector.broadcast %div3A_657 : vector<200x1xf32> to vector<200x128xf32>
    %mul3A_659 = arith.mulf %dot_general3A_654, %mul3A_658 : vector<200x128xf32>
    %slice3A_660 = vector.extract_strided_slice %convert_element_type3A_53 {offsets = [2800, 0], sizes = [200, 128], strides = [1, 1]} : vector<3200x128xbf16> to vector<200x128xbf16>
    %slice3A_661 = vector.extract_strided_slice %convert_element_type3A_65 {offsets = [2800, 128], sizes = [200, 128], strides = [1, 1]} : vector<3200x512xbf16> to vector<200x128xbf16>
    %dot_general3A_662 = arith.constant dense<0.000000e+00> : vector<200x200xf32>
    %dot_general3A_663 = tpu.matmul %slice3A_660, %slice3A_661, %dot_general3A_662 {dimension_numbers = #tpu.dot_dimension_numbers<[1], [1], [0], [0], [0, 0, 1, 0], [], []>, transpose_lhs_hint = false} : vector<200x128xbf16>, vector<200x128xbf16>, vector<200x200xf32> -> vector<200x200xf32>
    %exp23A_664 = math.exp2 %dot_general3A_663 : vector<200x200xf32>
    %convert_element_type3A_665 = arith.extf %get3A_68 : vector<200x200xbf16> to vector<200x200xf32>
    %mul3A_666 = arith.mulf %exp23A_664, %convert_element_type3A_665 : vector<200x200xf32>
    %convert_element_type3A_667 = arith.truncf %mul3A_666 : vector<200x200xf32> to vector<200x200xbf16>
    %dot_general3A_668 = arith.constant dense<0.000000e+00> : vector<200x1xf32>
    %dot_general3A_669 = tpu.matmul %convert_element_type3A_667, %broadcast_in_dim3A_70, %dot_general3A_668 {dimension_numbers = #tpu.dot_dimension_numbers<[1], [0], [0], [1], [0, 0, 1, 1], [], []>, transpose_lhs_hint = false} : vector<200x200xbf16>, vector<200x1xbf16>, vector<200x1xf32> -> vector<200x1xf32>
    %slice3A_670 = vector.extract_strided_slice %convert_element_type3A_65 {offsets = [2800, 384], sizes = [200, 128], strides = [1, 1]} : vector<3200x512xbf16> to vector<200x128xbf16>
    %dot_general3A_671 = arith.constant dense<0.000000e+00> : vector<200x128xf32>
    %dot_general3A_672 = tpu.matmul %convert_element_type3A_667, %slice3A_670, %dot_general3A_671 {dimension_numbers = #tpu.dot_dimension_numbers<[1], [0], [0], [1], [0, 0, 1, 1], [], []>, transpose_lhs_hint = false} : vector<200x200xbf16>, vector<200x128xbf16>, vector<200x128xf32> -> vector<200x128xf32>
    %div3A_673 = arith.constant 1.000000e+00 : f32
    %div3A_674 = vector.broadcast %div3A_673 : f32 to vector<200x1xf32>
    %div3A_675 = arith.divf %div3A_674, %dot_general3A_669 : vector<200x1xf32>
    %mul3A_676 = vector.broadcast %div3A_675 : vector<200x1xf32> to vector<200x128xf32>
    %mul3A_677 = arith.mulf %dot_general3A_672, %mul3A_676 : vector<200x128xf32>
    %add3A_678 = arith.addf %mul3A_659, %mul3A_677 : vector<200x128xf32>
    %convert_element_type3A_679 = arith.truncf %add3A_678 : vector<200x128xf32> to vector<200x128xbf16>
    %swap3A_680 = arith.constant 2800 : index
    %swap3A_681 = arith.constant 0 : index
    %swap3A_682 = vector.load %arg28[%swap3A_680, %swap3A_681] : memref<3200x128xbf16, #tpu.memory_space<vmem>>, vector<200x128xbf16>
    tpu.vector_store %arg28[%swap3A_680, %swap3A_681], %convert_element_type3A_679 {strides = array<i32>} : memref<3200x128xbf16, #tpu.memory_space<vmem>>, vector<200x128xbf16>,
    %slice3A_683 = vector.extract_strided_slice %convert_element_type3A_53 {offsets = [3000, 0], sizes = [200, 128], strides = [1, 1]} : vector<3200x128xbf16> to vector<200x128xbf16>
    %slice3A_684 = vector.extract_strided_slice %convert_element_type3A_65 {offsets = [3000, 0], sizes = [200, 128], strides = [1, 1]} : vector<3200x512xbf16> to vector<200x128xbf16>
    %dot_general3A_685 = arith.constant dense<0.000000e+00> : vector<200x200xf32>
    %dot_general3A_686 = tpu.matmul %slice3A_683, %slice3A_684, %dot_general3A_685 {dimension_numbers = #tpu.dot_dimension_numbers<[1], [1], [0], [0], [0, 0, 1, 0], [], []>, transpose_lhs_hint = false} : vector<200x128xbf16>, vector<200x128xbf16>, vector<200x200xf32> -> vector<200x200xf32>
    %exp23A_687 = math.exp2 %dot_general3A_686 : vector<200x200xf32>
    %convert_element_type3A_688 = arith.extf %get3A_68 : vector<200x200xbf16> to vector<200x200xf32>
    %mul3A_689 = arith.mulf %exp23A_687, %convert_element_type3A_688 : vector<200x200xf32>
    %convert_element_type3A_690 = arith.truncf %mul3A_689 : vector<200x200xf32> to vector<200x200xbf16>
    %dot_general3A_691 = arith.constant dense<0.000000e+00> : vector<200x1xf32>
    %dot_general3A_692 = tpu.matmul %convert_element_type3A_690, %broadcast_in_dim3A_70, %dot_general3A_691 {dimension_numbers = #tpu.dot_dimension_numbers<[1], [0], [0], [1], [0, 0, 1, 1], [], []>, transpose_lhs_hint = false} : vector<200x200xbf16>, vector<200x1xbf16>, vector<200x1xf32> -> vector<200x1xf32>
    %slice3A_693 = vector.extract_strided_slice %convert_element_type3A_65 {offsets = [3000, 256], sizes = [200, 128], strides = [1, 1]} : vector<3200x512xbf16> to vector<200x128xbf16>
    %dot_general3A_694 = arith.constant dense<0.000000e+00> : vector<200x128xf32>
    %dot_general3A_695 = tpu.matmul %convert_element_type3A_690, %slice3A_693, %dot_general3A_694 {dimension_numbers = #tpu.dot_dimension_numbers<[1], [0], [0], [1], [0, 0, 1, 1], [], []>, transpose_lhs_hint = false} : vector<200x200xbf16>, vector<200x128xbf16>, vector<200x128xf32> -> vector<200x128xf32>
    %div3A_696 = arith.constant 1.000000e+00 : f32
    %div3A_697 = vector.broadcast %div3A_696 : f32 to vector<200x1xf32>
    %div3A_698 = arith.divf %div3A_697, %dot_general3A_692 : vector<200x1xf32>
    %mul3A_699 = vector.broadcast %div3A_698 : vector<200x1xf32> to vector<200x128xf32>
    %mul3A_700 = arith.mulf %dot_general3A_695, %mul3A_699 : vector<200x128xf32>
    %slice3A_701 = vector.extract_strided_slice %convert_element_type3A_53 {offsets = [3000, 0], sizes = [200, 128], strides = [1, 1]} : vector<3200x128xbf16> to vector<200x128xbf16>
    %slice3A_702 = vector.extract_strided_slice %convert_element_type3A_65 {offsets = [3000, 128], sizes = [200, 128], strides = [1, 1]} : vector<3200x512xbf16> to vector<200x128xbf16>
    %dot_general3A_703 = arith.constant dense<0.000000e+00> : vector<200x200xf32>
    %dot_general3A_704 = tpu.matmul %slice3A_701, %slice3A_702, %dot_general3A_703 {dimension_numbers = #tpu.dot_dimension_numbers<[1], [1], [0], [0], [0, 0, 1, 0], [], []>, transpose_lhs_hint = false} : vector<200x128xbf16>, vector<200x128xbf16>, vector<200x200xf32> -> vector<200x200xf32>
    %exp23A_705 = math.exp2 %dot_general3A_704 : vector<200x200xf32>
    %convert_element_type3A_706 = arith.extf %get3A_68 : vector<200x200xbf16> to vector<200x200xf32>
    %mul3A_707 = arith.mulf %exp23A_705, %convert_element_type3A_706 : vector<200x200xf32>
    %convert_element_type3A_708 = arith.truncf %mul3A_707 : vector<200x200xf32> to vector<200x200xbf16>
    %dot_general3A_709 = arith.constant dense<0.000000e+00> : vector<200x1xf32>
    %dot_general3A_710 = tpu.matmul %convert_element_type3A_708, %broadcast_in_dim3A_70, %dot_general3A_709 {dimension_numbers = #tpu.dot_dimension_numbers<[1], [0], [0], [1], [0, 0, 1, 1], [], []>, transpose_lhs_hint = false} : vector<200x200xbf16>, vector<200x1xbf16>, vector<200x1xf32> -> vector<200x1xf32>
    %slice3A_711 = vector.extract_strided_slice %convert_element_type3A_65 {offsets = [3000, 384], sizes = [200, 128], strides = [1, 1]} : vector<3200x512xbf16> to vector<200x128xbf16>
    %dot_general3A_712 = arith.constant dense<0.000000e+00> : vector<200x128xf32>
    %dot_general3A_713 = tpu.matmul %convert_element_type3A_708, %slice3A_711, %dot_general3A_712 {dimension_numbers = #tpu.dot_dimension_numbers<[1], [0], [0], [1], [0, 0, 1, 1], [], []>, transpose_lhs_hint = false} : vector<200x200xbf16>, vector<200x128xbf16>, vector<200x128xf32> -> vector<200x128xf32>
    %div3A_714 = arith.constant 1.000000e+00 : f32
    %div3A_715 = vector.broadcast %div3A_714 : f32 to vector<200x1xf32>
    %div3A_716 = arith.divf %div3A_715, %dot_general3A_710 : vector<200x1xf32>
    %mul3A_717 = vector.broadcast %div3A_716 : vector<200x1xf32> to vector<200x128xf32>
    %mul3A_718 = arith.mulf %dot_general3A_713, %mul3A_717 : vector<200x128xf32>
    %add3A_719 = arith.addf %mul3A_700, %mul3A_718 : vector<200x128xf32>
    %convert_element_type3A_720 = arith.truncf %add3A_719 : vector<200x128xf32> to vector<200x128xbf16>
    %swap3A_721 = arith.constant 3000 : index
    %swap3A_722 = arith.constant 0 : index
    %swap3A_723 = vector.load %arg28[%swap3A_721, %swap3A_722] : memref<3200x128xbf16, #tpu.memory_space<vmem>>, vector<200x128xbf16>
    tpu.vector_store %arg28[%swap3A_721, %swap3A_722], %convert_element_type3A_720 {strides = array<i32>} : memref<3200x128xbf16, #tpu.memory_space<vmem>>, vector<200x128xbf16>,
    %get3A_724 = arith.constant 0 : index
    %get3A_725 = arith.constant 0 : index
    %get3A_726 = vector.load %arg28[%get3A_724, %get3A_725] : memref<3200x128xbf16, #tpu.memory_space<vmem>>, vector<3200x128xbf16>
    %get3A_727 = arith.constant 0 : index
    %get3A_728 = arith.constant 0 : index
    %get3A_729 = arith.constant 0 : index
    %get3A_730 = vector.load %arg15[%get3A_727, %get3A_728, %get3A_729] : memref<2x128x128xbf16, #tpu.memory_space<vmem>>, vector<1x128x128xbf16>
    %get3A_731 = vector.shape_cast %get3A_730 : vector<1x128x128xbf16> to vector<128x128xbf16>
    %dot_general3A_732 = arith.constant dense<0.000000e+00> : vector<3200x128xf32>
    %dot_general3A_733 = tpu.matmul %get3A_726, %get3A_731, %dot_general3A_732 {dimension_numbers = #tpu.dot_dimension_numbers<[1], [1], [0], [0], [0, 0, 1, 0], [], []>, transpose_lhs_hint = false} : vector<3200x128xbf16>, vector<128x128xbf16>, vector<3200x128xf32> -> vector<3200x128xf32>
    %get3A_734 = arith.constant 0 : index
    %get3A_735 = arith.constant 0 : index
    %get3A_736 = vector.load %arg16[%get3A_734, %get3A_735] : memref<2x128xf32, #tpu.memory_space<vmem>>, vector<1x128xf32>
    %get3A_737 = vector.shape_cast %get3A_736 : vector<1x128xf32> to vector<128xf32>
    %broadcast_in_dim3A_738 = vector.shape_cast %get3A_737 : vector<128xf32> to vector<1x128xf32>
    %add3A_739 = vector.broadcast %broadcast_in_dim3A_738 : vector<1x128xf32> to vector<3200x128xf32>
    %add3A_740 = arith.addf %dot_general3A_733, %add3A_739 : vector<3200x128xf32>
    %add3A_741 = arith.addf %add3A_39, %add3A_740 : vector<3200x128xf32>
    %get3A_742 = arith.constant 0 : index
    %get3A_743 = arith.constant 0 : index
    %get3A_744 = vector.load %arg19[%get3A_742, %get3A_743] : memref<2x128xf32, #tpu.memory_space<vmem>>, vector<1x128xf32>
    %get3A_745 = vector.shape_cast %get3A_744 : vector<1x128xf32> to vector<128xf32>
    %get3A_746 = arith.constant 0 : index
    %get3A_747 = arith.constant 0 : index
    %get3A_748 = vector.load %arg20[%get3A_746, %get3A_747] : memref<2x128xf32, #tpu.memory_space<vmem>>, vector<1x128xf32>
    %get3A_749 = vector.shape_cast %get3A_748 : vector<1x128xf32> to vector<128xf32>
    %reduce_sum3A_750 = arith.constant dense<0.000000e+00> : vector<3200xf32>
    %reduce_sum3A_751 = vector.multi_reduction <add>, %add3A_741, %reduce_sum3A_750 [1] : vector<3200x128xf32> to vector<3200xf32>
    %broadcast_in_dim3A_752 = vector.shape_cast %reduce_sum3A_751 : vector<3200xf32> to vector<3200x1xf32>
    %div3A_753 = arith.constant 1.280000e+02 : f32
    %div3A_754 = vector.broadcast %div3A_753 : f32 to vector<3200x1xf32>
    %div3A_755 = arith.divf %broadcast_in_dim3A_752, %div3A_754 : vector<3200x1xf32>
    %sub3A_756 = vector.broadcast %div3A_755 : vector<3200x1xf32> to vector<3200x128xf32>
    %sub3A_757 = arith.subf %add3A_741, %sub3A_756 : vector<3200x128xf32>
    %integer_pow3A_758 = arith.mulf %sub3A_757, %sub3A_757 : vector<3200x128xf32>
    %reduce_sum3A_759 = arith.constant dense<0.000000e+00> : vector<3200xf32>
    %reduce_sum3A_760 = vector.multi_reduction <add>, %integer_pow3A_758, %reduce_sum3A_759 [1] : vector<3200x128xf32> to vector<3200xf32>
    %broadcast_in_dim3A_761 = vector.shape_cast %reduce_sum3A_760 : vector<3200xf32> to vector<3200x1xf32>
    %div3A_762 = arith.constant 1.280000e+02 : f32
    %div3A_763 = vector.broadcast %div3A_762 : f32 to vector<3200x1xf32>
    %div3A_764 = arith.divf %broadcast_in_dim3A_761, %div3A_763 : vector<3200x1xf32>
    %sub3A_765 = vector.broadcast %div3A_755 : vector<3200x1xf32> to vector<3200x128xf32>
    %sub3A_766 = arith.subf %add3A_741, %sub3A_765 : vector<3200x128xf32>
    %add3A_767 = arith.constant 9.99999993E-9 : f32
    %add3A_768 = vector.broadcast %add3A_767 : f32 to vector<3200x1xf32>
    %add3A_769 = arith.addf %div3A_764, %add3A_768 : vector<3200x1xf32>
    %sqrt3A_770 = math.sqrt %add3A_769 : vector<3200x1xf32>
    %div3A_771 = vector.broadcast %sqrt3A_770 : vector<3200x1xf32> to vector<3200x128xf32>
    %div3A_772 = arith.divf %sub3A_766, %div3A_771 : vector<3200x128xf32>
    %broadcast_in_dim3A_773 = vector.shape_cast %get3A_745 : vector<128xf32> to vector<1x128xf32>
    %mul3A_774 = vector.broadcast %broadcast_in_dim3A_773 : vector<1x128xf32> to vector<3200x128xf32>
    %mul3A_775 = arith.mulf %div3A_772, %mul3A_774 : vector<3200x128xf32>
    %broadcast_in_dim3A_776 = vector.shape_cast %get3A_749 : vector<128xf32> to vector<1x128xf32>
    %add3A_777 = vector.broadcast %broadcast_in_dim3A_776 : vector<1x128xf32> to vector<3200x128xf32>
    %add3A_778 = arith.addf %mul3A_775, %add3A_777 : vector<3200x128xf32>
    %convert_element_type3A_779 = arith.truncf %add3A_778 : vector<3200x128xf32> to vector<3200x128xbf16>
    %get3A_780 = arith.constant 0 : index
    %get3A_781 = arith.constant 0 : index
    %get3A_782 = arith.constant 0 : index
    %get3A_783 = vector.load %arg21[%get3A_780, %get3A_781, %get3A_782] : memref<2x128x128xbf16, #tpu.memory_space<vmem>>, vector<1x128x128xbf16>
    %get3A_784 = vector.shape_cast %get3A_783 : vector<1x128x128xbf16> to vector<128x128xbf16>
    %dot_general3A_785 = arith.constant dense<0.000000e+00> : vector<3200x128xf32>
    %dot_general3A_786 = tpu.matmul %convert_element_type3A_779, %get3A_784, %dot_general3A_785 {dimension_numbers = #tpu.dot_dimension_numbers<[1], [1], [0], [0], [0, 0, 1, 0], [], []>, transpose_lhs_hint = false} : vector<3200x128xbf16>, vector<128x128xbf16>, vector<3200x128xf32> -> vector<3200x128xf32>
    %get3A_787 = arith.constant 0 : index
    %get3A_788 = arith.constant 0 : index
    %get3A_789 = vector.load %arg22[%get3A_787, %get3A_788] : memref<2x128xf32, #tpu.memory_space<vmem>>, vector<1x128xf32>
    %get3A_790 = vector.shape_cast %get3A_789 : vector<1x128xf32> to vector<128xf32>
    %broadcast_in_dim3A_791 = vector.shape_cast %get3A_790 : vector<128xf32> to vector<1x128xf32>
    %add3A_792 = vector.broadcast %broadcast_in_dim3A_791 : vector<1x128xf32> to vector<3200x128xf32>
    %add3A_793 = arith.addf %dot_general3A_786, %add3A_792 : vector<3200x128xf32>
    %max3A = arith.constant 0.000000e+00 : f32
    %max3A_794 = vector.broadcast %max3A : f32 to vector<3200x128xf32>
    %max3A_795 = arith.maximumf %add3A_793, %max3A_794 : vector<3200x128xf32>
    %convert_element_type3A_796 = arith.truncf %max3A_795 : vector<3200x128xf32> to vector<3200x128xbf16>
    %get3A_797 = arith.constant 0 : index
    %get3A_798 = arith.constant 0 : index
    %get3A_799 = arith.constant 0 : index
    %get3A_800 = vector.load %arg23[%get3A_797, %get3A_798, %get3A_799] : memref<2x128x128xbf16, #tpu.memory_space<vmem>>, vector<1x128x128xbf16>
    %get3A_801 = vector.shape_cast %get3A_800 : vector<1x128x128xbf16> to vector<128x128xbf16>
    %dot_general3A_802 = arith.constant dense<0.000000e+00> : vector<3200x128xf32>
    %dot_general3A_803 = tpu.matmul %convert_element_type3A_796, %get3A_801, %dot_general3A_802 {dimension_numbers = #tpu.dot_dimension_numbers<[1], [1], [0], [0], [0, 0, 1, 0], [], []>, transpose_lhs_hint = false} : vector<3200x128xbf16>, vector<128x128xbf16>, vector<3200x128xf32> -> vector<3200x128xf32>
    %get3A_804 = arith.constant 0 : index
    %get3A_805 = arith.constant 0 : index
    %get3A_806 = vector.load %arg24[%get3A_804, %get3A_805] : memref<2x128xf32, #tpu.memory_space<vmem>>, vector<1x128xf32>
    %get3A_807 = vector.shape_cast %get3A_806 : vector<1x128xf32> to vector<128xf32>
    %broadcast_in_dim3A_808 = vector.shape_cast %get3A_807 : vector<128xf32> to vector<1x128xf32>
    %add3A_809 = vector.broadcast %broadcast_in_dim3A_808 : vector<1x128xf32> to vector<3200x128xf32>
    %add3A_810 = arith.addf %dot_general3A_803, %add3A_809 : vector<3200x128xf32>
    %add3A_811 = arith.addf %add3A_810, %add3A_778 : vector<3200x128xf32>
    %mul3A_812 = vector.broadcast %get3A_1 : vector<3200x1xf32> to vector<3200x128xf32>
    %mul3A_813 = arith.mulf %add3A_811, %mul3A_812 : vector<3200x128xf32>
    %swap3A_814 = arith.constant 0 : index
    %swap3A_815 = arith.constant 0 : index
    %swap3A_816 = vector.load %arg29[%swap3A_814, %swap3A_815] : memref<3200x128xf32, #tpu.memory_space<vmem>>, vector<3200x128xf32>
    tpu.vector_store %arg29[%swap3A_814, %swap3A_815], %mul3A_813 {strides = array<i32>} : memref<3200x128xf32, #tpu.memory_space<vmem>>, vector<3200x128xf32>,
    %convert_element_type3A_817 = arith.truncf %mul3A_813 : vector<3200x128xf32> to vector<3200x128xbf16>
    %get3A_818 = arith.constant 0 : index
    %get3A_819 = arith.constant 0 : index
    %get3A_820 = vector.load %arg13[%get3A_818, %get3A_819] : memref<256x128xbf16, #tpu.memory_space<vmem>>, vector<256x128xbf16>
    %dot_general3A_821 = arith.constant dense<0.000000e+00> : vector<3200x256xf32>
    %dot_general3A_822 = tpu.matmul %convert_element_type3A_817, %get3A_820, %dot_general3A_821 {dimension_numbers = #tpu.dot_dimension_numbers<[1], [1], [0], [0], [0, 0, 1, 0], [], []>, transpose_lhs_hint = false} : vector<3200x128xbf16>, vector<256x128xbf16>, vector<3200x256xf32> -> vector<3200x256xf32>
    %get3A_823 = arith.constant 0 : index
    %get3A_824 = vector.load %arg14[%get3A_823] : memref<256xf32, #tpu.memory_space<vmem>>, vector<256xf32>
    %broadcast_in_dim3A_825 = vector.shape_cast %get3A_824 : vector<256xf32> to vector<1x256xf32>
    %add3A_826 = vector.broadcast %broadcast_in_dim3A_825 : vector<1x256xf32> to vector<3200x256xf32>
    %add3A_827 = arith.addf %dot_general3A_822, %add3A_826 : vector<3200x256xf32>
    %convert_element_type3A_828 = arith.truncf %add3A_827 : vector<3200x256xf32> to vector<3200x256xbf16>
    %mul3A_829 = arith.constant 16 : i32
    %mul3A_830 = arith.muli %arg0, %mul3A_829 : i32
    %add3A_831 = arith.constant 0 : i32
    %add3A_832 = arith.addi %mul3A_830, %add3A_831 : i32
    %get3A_833 = arith.index_cast %add3A_832 : i32 to index
    %get3A_834 = memref.load %arg1[%get3A_833] : memref<1024xi32, #tpu.memory_space<smem>>
    %add3A_835 = arith.constant 0 : i32
    %add3A_836 = arith.addi %add3A_835, %get3A_834 : i32
    %sub3A_837 = arith.constant 1 : i32
    %sub3A_838 = arith.subi %add3A_836, %sub3A_837 : i32
    %get3A_839 = arith.index_cast %sub3A_838 : i32 to index
    %get3A_840 = arith.constant 0 : index
    %get3A_841 = vector.load %arg29[%get3A_839, %get3A_840] : memref<3200x128xf32, #tpu.memory_space<vmem>>, vector<1x128xf32>
    %mul3A_842 = arith.constant 16 : i32
    %mul3A_843 = arith.muli %arg0, %mul3A_842 : i32
    %add3A_844 = arith.constant 1 : i32
    %add3A_845 = arith.addi %mul3A_843, %add3A_844 : i32
    %get3A_846 = arith.index_cast %add3A_845 : i32 to index
    %get3A_847 = memref.load %arg1[%get3A_846] : memref<1024xi32, #tpu.memory_space<smem>>
    %add3A_848 = arith.constant 200 : i32
    %add3A_849 = arith.addi %add3A_848, %get3A_847 : i32
    %sub3A_850 = arith.constant 1 : i32
    %sub3A_851 = arith.subi %add3A_849, %sub3A_850 : i32
    %get3A_852 = arith.index_cast %sub3A_851 : i32 to index
    %get3A_853 = arith.constant 0 : index
    %get3A_854 = vector.load %arg29[%get3A_852, %get3A_853] : memref<3200x128xf32, #tpu.memory_space<vmem>>, vector<1x128xf32>
    %mul3A_855 = arith.constant 16 : i32
    %mul3A_856 = arith.muli %arg0, %mul3A_855 : i32
    %add3A_857 = arith.constant 2 : i32
    %add3A_858 = arith.addi %mul3A_856, %add3A_857 : i32
    %get3A_859 = arith.index_cast %add3A_858 : i32 to index
    %get3A_860 = memref.load %arg1[%get3A_859] : memref<1024xi32, #tpu.memory_space<smem>>
    %add3A_861 = arith.constant 400 : i32
    %add3A_862 = arith.addi %add3A_861, %get3A_860 : i32
    %sub3A_863 = arith.constant 1 : i32
    %sub3A_864 = arith.subi %add3A_862, %sub3A_863 : i32
    %get3A_865 = arith.index_cast %sub3A_864 : i32 to index
    %get3A_866 = arith.constant 0 : index
    %get3A_867 = vector.load %arg29[%get3A_865, %get3A_866] : memref<3200x128xf32, #tpu.memory_space<vmem>>, vector<1x128xf32>
    %mul3A_868 = arith.constant 16 : i32
    %mul3A_869 = arith.muli %arg0, %mul3A_868 : i32
    %add3A_870 = arith.constant 3 : i32
    %add3A_871 = arith.addi %mul3A_869, %add3A_870 : i32
    %get3A_872 = arith.index_cast %add3A_871 : i32 to index
    %get3A_873 = memref.load %arg1[%get3A_872] : memref<1024xi32, #tpu.memory_space<smem>>
    %add3A_874 = arith.constant 600 : i32
    %add3A_875 = arith.addi %add3A_874, %get3A_873 : i32
    %sub3A_876 = arith.constant 1 : i32
    %sub3A_877 = arith.subi %add3A_875, %sub3A_876 : i32
    %get3A_878 = arith.index_cast %sub3A_877 : i32 to index
    %get3A_879 = arith.constant 0 : index
    %get3A_880 = vector.load %arg29[%get3A_878, %get3A_879] : memref<3200x128xf32, #tpu.memory_space<vmem>>, vector<1x128xf32>
    %mul3A_881 = arith.constant 16 : i32
    %mul3A_882 = arith.muli %arg0, %mul3A_881 : i32
    %add3A_883 = arith.constant 4 : i32
    %add3A_884 = arith.addi %mul3A_882, %add3A_883 : i32
    %get3A_885 = arith.index_cast %add3A_884 : i32 to index
    %get3A_886 = memref.load %arg1[%get3A_885] : memref<1024xi32, #tpu.memory_space<smem>>
    %add3A_887 = arith.constant 800 : i32
    %add3A_888 = arith.addi %add3A_887, %get3A_886 : i32
    %sub3A_889 = arith.constant 1 : i32
    %sub3A_890 = arith.subi %add3A_888, %sub3A_889 : i32
    %get3A_891 = arith.index_cast %sub3A_890 : i32 to index
    %get3A_892 = arith.constant 0 : index
    %get3A_893 = vector.load %arg29[%get3A_891, %get3A_892] : memref<3200x128xf32, #tpu.memory_space<vmem>>, vector<1x128xf32>
    %mul3A_894 = arith.constant 16 : i32
    %mul3A_895 = arith.muli %arg0, %mul3A_894 : i32
    %add3A_896 = arith.constant 5 : i32
    %add3A_897 = arith.addi %mul3A_895, %add3A_896 : i32
    %get3A_898 = arith.index_cast %add3A_897 : i32 to index
    %get3A_899 = memref.load %arg1[%get3A_898] : memref<1024xi32, #tpu.memory_space<smem>>
    %add3A_900 = arith.constant 1000 : i32
    %add3A_901 = arith.addi %add3A_900, %get3A_899 : i32
    %sub3A_902 = arith.constant 1 : i32
    %sub3A_903 = arith.subi %add3A_901, %sub3A_902 : i32
    %get3A_904 = arith.index_cast %sub3A_903 : i32 to index
    %get3A_905 = arith.constant 0 : index
    %get3A_906 = vector.load %arg29[%get3A_904, %get3A_905] : memref<3200x128xf32, #tpu.memory_space<vmem>>, vector<1x128xf32>
    %mul3A_907 = arith.constant 16 : i32
    %mul3A_908 = arith.muli %arg0, %mul3A_907 : i32
    %add3A_909 = arith.constant 6 : i32
    %add3A_910 = arith.addi %mul3A_908, %add3A_909 : i32
    %get3A_911 = arith.index_cast %add3A_910 : i32 to index
    %get3A_912 = memref.load %arg1[%get3A_911] : memref<1024xi32, #tpu.memory_space<smem>>
    %add3A_913 = arith.constant 1200 : i32
    %add3A_914 = arith.addi %add3A_913, %get3A_912 : i32
    %sub3A_915 = arith.constant 1 : i32
    %sub3A_916 = arith.subi %add3A_914, %sub3A_915 : i32
    %get3A_917 = arith.index_cast %sub3A_916 : i32 to index
    %get3A_918 = arith.constant 0 : index
    %get3A_919 = vector.load %arg29[%get3A_917, %get3A_918] : memref<3200x128xf32, #tpu.memory_space<vmem>>, vector<1x128xf32>
    %mul3A_920 = arith.constant 16 : i32
    %mul3A_921 = arith.muli %arg0, %mul3A_920 : i32
    %add3A_922 = arith.constant 7 : i32
    %add3A_923 = arith.addi %mul3A_921, %add3A_922 : i32
    %get3A_924 = arith.index_cast %add3A_923 : i32 to index
    %get3A_925 = memref.load %arg1[%get3A_924] : memref<1024xi32, #tpu.memory_space<smem>>
    %add3A_926 = arith.constant 1400 : i32
    %add3A_927 = arith.addi %add3A_926, %get3A_925 : i32
    %sub3A_928 = arith.constant 1 : i32
    %sub3A_929 = arith.subi %add3A_927, %sub3A_928 : i32
    %get3A_930 = arith.index_cast %sub3A_929 : i32 to index
    %get3A_931 = arith.constant 0 : index
    %get3A_932 = vector.load %arg29[%get3A_930, %get3A_931] : memref<3200x128xf32, #tpu.memory_space<vmem>>, vector<1x128xf32>
    %mul3A_933 = arith.constant 16 : i32
    %mul3A_934 = arith.muli %arg0, %mul3A_933 : i32
    %add3A_935 = arith.constant 8 : i32
    %add3A_936 = arith.addi %mul3A_934, %add3A_935 : i32
    %get3A_937 = arith.index_cast %add3A_936 : i32 to index
    %get3A_938 = memref.load %arg1[%get3A_937] : memref<1024xi32, #tpu.memory_space<smem>>
    %add3A_939 = arith.constant 1600 : i32
    %add3A_940 = arith.addi %add3A_939, %get3A_938 : i32
    %sub3A_941 = arith.constant 1 : i32
    %sub3A_942 = arith.subi %add3A_940, %sub3A_941 : i32
    %get3A_943 = arith.index_cast %sub3A_942 : i32 to index
    %get3A_944 = arith.constant 0 : index
    %get3A_945 = vector.load %arg29[%get3A_943, %get3A_944] : memref<3200x128xf32, #tpu.memory_space<vmem>>, vector<1x128xf32>
    %mul3A_946 = arith.constant 16 : i32
    %mul3A_947 = arith.muli %arg0, %mul3A_946 : i32
    %add3A_948 = arith.constant 9 : i32
    %add3A_949 = arith.addi %mul3A_947, %add3A_948 : i32
    %get3A_950 = arith.index_cast %add3A_949 : i32 to index
    %get3A_951 = memref.load %arg1[%get3A_950] : memref<1024xi32, #tpu.memory_space<smem>>
    %add3A_952 = arith.constant 1800 : i32
    %add3A_953 = arith.addi %add3A_952, %get3A_951 : i32
    %sub3A_954 = arith.constant 1 : i32
    %sub3A_955 = arith.subi %add3A_953, %sub3A_954 : i32
    %get3A_956 = arith.index_cast %sub3A_955 : i32 to index
    %get3A_957 = arith.constant 0 : index
    %get3A_958 = vector.load %arg29[%get3A_956, %get3A_957] : memref<3200x128xf32, #tpu.memory_space<vmem>>, vector<1x128xf32>
    %mul3A_959 = arith.constant 16 : i32
    %mul3A_960 = arith.muli %arg0, %mul3A_959 : i32
    %add3A_961 = arith.constant 10 : i32
    %add3A_962 = arith.addi %mul3A_960, %add3A_961 : i32
    %get3A_963 = arith.index_cast %add3A_962 : i32 to index
    %get3A_964 = memref.load %arg1[%get3A_963] : memref<1024xi32, #tpu.memory_space<smem>>
    %add3A_965 = arith.constant 2000 : i32
    %add3A_966 = arith.addi %add3A_965, %get3A_964 : i32
    %sub3A_967 = arith.constant 1 : i32
    %sub3A_968 = arith.subi %add3A_966, %sub3A_967 : i32
    %get3A_969 = arith.index_cast %sub3A_968 : i32 to index
    %get3A_970 = arith.constant 0 : index
    %get3A_971 = vector.load %arg29[%get3A_969, %get3A_970] : memref<3200x128xf32, #tpu.memory_space<vmem>>, vector<1x128xf32>
    %mul3A_972 = arith.constant 16 : i32
    %mul3A_973 = arith.muli %arg0, %mul3A_972 : i32
    %add3A_974 = arith.constant 11 : i32
    %add3A_975 = arith.addi %mul3A_973, %add3A_974 : i32
    %get3A_976 = arith.index_cast %add3A_975 : i32 to index
    %get3A_977 = memref.load %arg1[%get3A_976] : memref<1024xi32, #tpu.memory_space<smem>>
    %add3A_978 = arith.constant 2200 : i32
    %add3A_979 = arith.addi %add3A_978, %get3A_977 : i32
    %sub3A_980 = arith.constant 1 : i32
    %sub3A_981 = arith.subi %add3A_979, %sub3A_980 : i32
    %get3A_982 = arith.index_cast %sub3A_981 : i32 to index
    %get3A_983 = arith.constant 0 : index
    %get3A_984 = vector.load %arg29[%get3A_982, %get3A_983] : memref<3200x128xf32, #tpu.memory_space<vmem>>, vector<1x128xf32>
    %mul3A_985 = arith.constant 16 : i32
    %mul3A_986 = arith.muli %arg0, %mul3A_985 : i32
    %add3A_987 = arith.constant 12 : i32
    %add3A_988 = arith.addi %mul3A_986, %add3A_987 : i32
    %get3A_989 = arith.index_cast %add3A_988 : i32 to index
    %get3A_990 = memref.load %arg1[%get3A_989] : memref<1024xi32, #tpu.memory_space<smem>>
    %add3A_991 = arith.constant 2400 : i32
    %add3A_992 = arith.addi %add3A_991, %get3A_990 : i32
    %sub3A_993 = arith.constant 1 : i32
    %sub3A_994 = arith.subi %add3A_992, %sub3A_993 : i32
    %get3A_995 = arith.index_cast %sub3A_994 : i32 to index
    %get3A_996 = arith.constant 0 : index
    %get3A_997 = vector.load %arg29[%get3A_995, %get3A_996] : memref<3200x128xf32, #tpu.memory_space<vmem>>, vector<1x128xf32>
    %mul3A_998 = arith.constant 16 : i32
    %mul3A_999 = arith.muli %arg0, %mul3A_998 : i32
    %add3A_1000 = arith.constant 13 : i32
    %add3A_1001 = arith.addi %mul3A_999, %add3A_1000 : i32
    %get3A_1002 = arith.index_cast %add3A_1001 : i32 to index
    %get3A_1003 = memref.load %arg1[%get3A_1002] : memref<1024xi32, #tpu.memory_space<smem>>
    %add3A_1004 = arith.constant 2600 : i32
    %add3A_1005 = arith.addi %add3A_1004, %get3A_1003 : i32
    %sub3A_1006 = arith.constant 1 : i32
    %sub3A_1007 = arith.subi %add3A_1005, %sub3A_1006 : i32
    %get3A_1008 = arith.index_cast %sub3A_1007 : i32 to index
    %get3A_1009 = arith.constant 0 : index
    %get3A_1010 = vector.load %arg29[%get3A_1008, %get3A_1009] : memref<3200x128xf32, #tpu.memory_space<vmem>>, vector<1x128xf32>
    %mul3A_1011 = arith.constant 16 : i32
    %mul3A_1012 = arith.muli %arg0, %mul3A_1011 : i32
    %add3A_1013 = arith.constant 14 : i32
    %add3A_1014 = arith.addi %mul3A_1012, %add3A_1013 : i32
    %get3A_1015 = arith.index_cast %add3A_1014 : i32 to index
    %get3A_1016 = memref.load %arg1[%get3A_1015] : memref<1024xi32, #tpu.memory_space<smem>>
    %add3A_1017 = arith.constant 2800 : i32
    %add3A_1018 = arith.addi %add3A_1017, %get3A_1016 : i32
    %sub3A_1019 = arith.constant 1 : i32
    %sub3A_1020 = arith.subi %add3A_1018, %sub3A_1019 : i32
    %get3A_1021 = arith.index_cast %sub3A_1020 : i32 to index
    %get3A_1022 = arith.constant 0 : index
    %get3A_1023 = vector.load %arg29[%get3A_1021, %get3A_1022] : memref<3200x128xf32, #tpu.memory_space<vmem>>, vector<1x128xf32>
    %mul3A_1024 = arith.constant 16 : i32
    %mul3A_1025 = arith.muli %arg0, %mul3A_1024 : i32
    %add3A_1026 = arith.constant 15 : i32
    %add3A_1027 = arith.addi %mul3A_1025, %add3A_1026 : i32
    %get3A_1028 = arith.index_cast %add3A_1027 : i32 to index
    %get3A_1029 = memref.load %arg1[%get3A_1028] : memref<1024xi32, #tpu.memory_space<smem>>
    %add3A_1030 = arith.constant 3000 : i32
    %add3A_1031 = arith.addi %add3A_1030, %get3A_1029 : i32
    %sub3A_1032 = arith.constant 1 : i32
    %sub3A_1033 = arith.subi %add3A_1031, %sub3A_1032 : i32
    %get3A_1034 = arith.index_cast %sub3A_1033 : i32 to index
    %get3A_1035 = arith.constant 0 : index
    %get3A_1036 = vector.load %arg29[%get3A_1034, %get3A_1035] : memref<3200x128xf32, #tpu.memory_space<vmem>>, vector<1x128xf32>
    %concatenate3A = tpu.concatenate %get3A_841, %get3A_854, %get3A_867, %get3A_880, %get3A_893, %get3A_906, %get3A_919, %get3A_932, %get3A_945, %get3A_958, %get3A_971, %get3A_984, %get3A_997, %get3A_1010, %get3A_1023, %get3A_1036 in 0 : vector<1x128xf32>, vector<1x128xf32>, vector<1x128xf32>, vector<1x128xf32>, vector<1x128xf32>, vector<1x128xf32>, vector<1x128xf32>, vector<1x128xf32>, vector<1x128xf32>, vector<1x128xf32>, vector<1x128xf32>, vector<1x128xf32>, vector<1x128xf32>, vector<1x128xf32>, vector<1x128xf32>, vector<1x128xf32> -> vector<16x128xf32>
    %get3A_1037 = arith.constant 1 : index
    %get3A_1038 = arith.constant 0 : index
    %get3A_1039 = vector.load %arg17[%get3A_1037, %get3A_1038] : memref<2x128xf32, #tpu.memory_space<vmem>>, vector<1x128xf32>
    %get3A_1040 = vector.shape_cast %get3A_1039 : vector<1x128xf32> to vector<128xf32>
    %get3A_1041 = arith.constant 1 : index
    %get3A_1042 = arith.constant 0 : index
    %get3A_1043 = vector.load %arg18[%get3A_1041, %get3A_1042] : memref<2x128xf32, #tpu.memory_space<vmem>>, vector<1x128xf32>
    %get3A_1044 = vector.shape_cast %get3A_1043 : vector<1x128xf32> to vector<128xf32>
    %reduce_sum3A_1045 = arith.constant dense<0.000000e+00> : vector<16xf32>
    %reduce_sum3A_1046 = vector.multi_reduction <add>, %concatenate3A, %reduce_sum3A_1045 [1] : vector<16x128xf32> to vector<16xf32>
    %broadcast_in_dim3A_1047 = vector.shape_cast %reduce_sum3A_1046 : vector<16xf32> to vector<16x1xf32>
    %div3A_1048 = arith.constant 1.280000e+02 : f32
    %div3A_1049 = vector.broadcast %div3A_1048 : f32 to vector<16x1xf32>
    %div3A_1050 = arith.divf %broadcast_in_dim3A_1047, %div3A_1049 : vector<16x1xf32>
    %sub3A_1051 = vector.broadcast %div3A_1050 : vector<16x1xf32> to vector<16x128xf32>
    %sub3A_1052 = arith.subf %concatenate3A, %sub3A_1051 : vector<16x128xf32>
    %integer_pow3A_1053 = arith.mulf %sub3A_1052, %sub3A_1052 : vector<16x128xf32>
    %reduce_sum3A_1054 = arith.constant dense<0.000000e+00> : vector<16xf32>
    %reduce_sum3A_1055 = vector.multi_reduction <add>, %integer_pow3A_1053, %reduce_sum3A_1054 [1] : vector<16x128xf32> to vector<16xf32>
    %broadcast_in_dim3A_1056 = vector.shape_cast %reduce_sum3A_1055 : vector<16xf32> to vector<16x1xf32>
    %div3A_1057 = arith.constant 1.280000e+02 : f32
    %div3A_1058 = vector.broadcast %div3A_1057 : f32 to vector<16x1xf32>
    %div3A_1059 = arith.divf %broadcast_in_dim3A_1056, %div3A_1058 : vector<16x1xf32>
    %sub3A_1060 = vector.broadcast %div3A_1050 : vector<16x1xf32> to vector<16x128xf32>
    %sub3A_1061 = arith.subf %concatenate3A, %sub3A_1060 : vector<16x128xf32>
    %add3A_1062 = arith.constant 9.99999993E-9 : f32
    %add3A_1063 = vector.broadcast %add3A_1062 : f32 to vector<16x1xf32>
    %add3A_1064 = arith.addf %div3A_1059, %add3A_1063 : vector<16x1xf32>
    %sqrt3A_1065 = math.sqrt %add3A_1064 : vector<16x1xf32>
    %div3A_1066 = vector.broadcast %sqrt3A_1065 : vector<16x1xf32> to vector<16x128xf32>
    %div3A_1067 = arith.divf %sub3A_1061, %div3A_1066 : vector<16x128xf32>
    %broadcast_in_dim3A_1068 = vector.shape_cast %get3A_1040 : vector<128xf32> to vector<1x128xf32>
    %mul3A_1069 = vector.broadcast %broadcast_in_dim3A_1068 : vector<1x128xf32> to vector<16x128xf32>
    %mul3A_1070 = arith.mulf %div3A_1067, %mul3A_1069 : vector<16x128xf32>
    %broadcast_in_dim3A_1071 = vector.shape_cast %get3A_1044 : vector<128xf32> to vector<1x128xf32>
    %add3A_1072 = vector.broadcast %broadcast_in_dim3A_1071 : vector<1x128xf32> to vector<16x128xf32>
    %add3A_1073 = arith.addf %mul3A_1070, %add3A_1072 : vector<16x128xf32>
    %convert_element_type3A_1074 = arith.truncf %add3A_1073 : vector<16x128xf32> to vector<16x128xbf16>
    %get3A_1075 = arith.constant 1 : index
    %get3A_1076 = arith.constant 0 : index
    %get3A_1077 = arith.constant 0 : index
    %get3A_1078 = vector.load %arg9[%get3A_1075, %get3A_1076, %get3A_1077] : memref<2x128x128xbf16, #tpu.memory_space<vmem>>, vector<1x128x128xbf16>
    %get3A_1079 = vector.shape_cast %get3A_1078 : vector<1x128x128xbf16> to vector<128x128xbf16>
    %dot_general3A_1080 = arith.constant dense<0.000000e+00> : vector<16x128xf32>
    %dot_general3A_1081 = tpu.matmul %convert_element_type3A_1074, %get3A_1079, %dot_general3A_1080 {dimension_numbers = #tpu.dot_dimension_numbers<[1], [1], [0], [0], [0, 0, 1, 0], [], []>, transpose_lhs_hint = false} : vector<16x128xbf16>, vector<128x128xbf16>, vector<16x128xf32> -> vector<16x128xf32>
    %get3A_1082 = arith.constant 1 : index
    %get3A_1083 = arith.constant 0 : index
    %get3A_1084 = vector.load %arg10[%get3A_1082, %get3A_1083] : memref<2x128xf32, #tpu.memory_space<vmem>>, vector<1x128xf32>
    %get3A_1085 = vector.shape_cast %get3A_1084 : vector<1x128xf32> to vector<128xf32>
    %broadcast_in_dim3A_1086 = vector.shape_cast %get3A_1085 : vector<128xf32> to vector<1x128xf32>
    %add3A_1087 = vector.broadcast %broadcast_in_dim3A_1086 : vector<1x128xf32> to vector<16x128xf32>
    %add3A_1088 = arith.addf %dot_general3A_1081, %add3A_1087 : vector<16x128xf32>
    %get3A_1089 = arith.constant 0 : index
    %get3A_1090 = arith.constant 0 : index
    %get3A_1091 = vector.load %arg8[%get3A_1089, %get3A_1090] : memref<3200x16xbf16, #tpu.memory_space<vmem>>, vector<3200x16xbf16>
    %iota3A = tpu.iota {dimensions = array<i32: 0>} : vector<128x2xi32>
    %jit3A = arith.constant 64 : i32
    %div3A_1092 = vector.broadcast %jit3A : i32 to vector<128x2xi32>
    %div3A_1093 = arith.divsi %iota3A, %div3A_1092 : vector<128x2xi32>
    %sign3A = arith.constant 0 : i32
    %sign3A_1094 = vector.broadcast %sign3A : i32 to vector<128x2xi32>
    %sign3A_1095 = arith.cmpi sgt, %iota3A, %sign3A_1094 : vector<128x2xi32>
    %sign3A_1096 = arith.extui %sign3A_1095 : vector<128x2xi1> to vector<128x2xi32>
    %sign3A_1097 = arith.constant 0 : i32
    %sign3A_1098 = vector.broadcast %sign3A_1097 : i32 to vector<128x2xi32>
    %sign3A_1099 = arith.cmpi slt, %iota3A, %sign3A_1098 : vector<128x2xi32>
    %sign3A_1100 = arith.extui %sign3A_1099 : vector<128x2xi1> to vector<128x2xi32>
    %sign3A_1101 = arith.subi %sign3A_1096, %sign3A_1100 : vector<128x2xi32>
    %sign3A_1102 = arith.constant 0 : i32
    %sign3A_1103 = arith.cmpi sgt, %jit3A, %sign3A_1102 : i32
    %sign3A_1104 = arith.extui %sign3A_1103 : i1 to i32
    %sign3A_1105 = arith.constant 0 : i32
    %sign3A_1106 = arith.cmpi slt, %jit3A, %sign3A_1105 : i32
    %sign3A_1107 = arith.extui %sign3A_1106 : i1 to i32
    %sign3A_1108 = arith.subi %sign3A_1104, %sign3A_1107 : i32
    %ne3A = vector.broadcast %sign3A_1108 : i32 to vector<128x2xi32>
    %ne3A_1109 = arith.cmpi ne, %sign3A_1101, %ne3A : vector<128x2xi32>
    %rem3A = vector.broadcast %jit3A : i32 to vector<128x2xi32>
    %rem3A_1110 = arith.remsi %iota3A, %rem3A : vector<128x2xi32>
    %ne3A_1111 = arith.constant 0 : i32
    %ne3A_1112 = vector.broadcast %ne3A_1111 : i32 to vector<128x2xi32>
    %ne3A_1113 = arith.cmpi ne, %rem3A_1110, %ne3A_1112 : vector<128x2xi32>
    %and3A = arith.andi %ne3A_1109, %ne3A_1113 : vector<128x2xi1>
    %sub3A_1114 = arith.constant 1 : i32
    %sub3A_1115 = vector.broadcast %sub3A_1114 : i32 to vector<128x2xi32>
    %sub3A_1116 = arith.subi %div3A_1093, %sub3A_1115 : vector<128x2xi32>
    %select_n3A = arith.select %and3A, %sub3A_1116, %div3A_1093 : vector<128x2xi1>, vector<128x2xi32>
    %iota3A_1117 = tpu.iota {dimensions = array<i32: 1>} : vector<128x2xi32>
    %eq3A = arith.cmpi eq, %select_n3A, %iota3A_1117 : vector<128x2xi32>
    %convert_element_type3A_1118 = arith.extui %eq3A : vector<128x2xi1> to vector<128x2xi32>
    %convert_element_type3A_1119 = arith.sitofp %convert_element_type3A_1118 : vector<128x2xi32> to vector<128x2xf32>
    %convert_element_type3A_1120 = arith.truncf %convert_element_type3A_1119 : vector<128x2xf32> to vector<128x2xbf16>
    %convert_element_type3A_1121 = arith.truncf %add3A_1088 : vector<16x128xf32> to vector<16x128xbf16>
    %dot_general3A_1122 = arith.constant dense<0.000000e+00> : vector<3200x128xf32>
    %dot_general3A_1123 = tpu.matmul %get3A_1091, %convert_element_type3A_1121, %dot_general3A_1122 {dimension_numbers = #tpu.dot_dimension_numbers<[1], [0], [0], [1], [0, 0, 1, 1], [], []>, transpose_lhs_hint = false} : vector<3200x16xbf16>, vector<16x128xbf16>, vector<3200x128xf32> -> vector<3200x128xf32>
    %slice3A_1124 = vector.extract_strided_slice %convert_element_type3A_828 {offsets = [0, 0], sizes = [3200, 128], strides = [1, 1]} : vector<3200x256xbf16> to vector<3200x128xbf16>
    %convert_element_type3A_1125 = arith.truncf %dot_general3A_1123 : vector<3200x128xf32> to vector<3200x128xbf16>
    %mul3A_1126 = arith.mulf %slice3A_1124, %convert_element_type3A_1125 : vector<3200x128xbf16>
    %dot_general3A_1127 = arith.constant dense<0.000000e+00> : vector<3200x2xf32>
    %dot_general3A_1128 = tpu.matmul %mul3A_1126, %convert_element_type3A_1120, %dot_general3A_1127 {dimension_numbers = #tpu.dot_dimension_numbers<[1], [0], [0], [1], [0, 0, 1, 1], [], []>, transpose_lhs_hint = false} : vector<3200x128xbf16>, vector<128x2xbf16>, vector<3200x2xf32> -> vector<3200x2xf32>
    %exp23A_1129 = math.exp2 %dot_general3A_1128 : vector<3200x2xf32>
    %get3A_1130 = arith.constant 0 : index
    %get3A_1131 = arith.constant 0 : index
    %get3A_1132 = vector.load %arg6[%get3A_1130, %get3A_1131] : memref<3200x1xf32, #tpu.memory_space<vmem>>, vector<3200x1xf32>
    %mul3A_1133 = vector.broadcast %get3A_1132 : vector<3200x1xf32> to vector<3200x2xf32>
    %mul3A_1134 = arith.mulf %exp23A_1129, %mul3A_1133 : vector<3200x2xf32>
    %convert_element_type3A_1135 = arith.truncf %mul3A_1134 : vector<3200x2xf32> to vector<3200x2xbf16>
    %dot_general3A_1136 = arith.constant dense<0.000000e+00> : vector<16x2xf32>
    %dot_general3A_1137 = tpu.matmul %get3A_1091, %convert_element_type3A_1135, %dot_general3A_1136 {dimension_numbers = #tpu.dot_dimension_numbers<[0], [0], [1], [1], [0, 1, 1, 1], [], []>, transpose_lhs_hint = false} : vector<3200x16xbf16>, vector<3200x2xbf16>, vector<16x2xf32> -> vector<16x2xf32>
    %div3A_1138 = arith.constant 1.000000e+00 : f32
    %div3A_1139 = vector.broadcast %div3A_1138 : f32 to vector<16x2xf32>
    %div3A_1140 = arith.divf %div3A_1139, %dot_general3A_1137 : vector<16x2xf32>
    %convert_element_type3A_1141 = arith.truncf %div3A_1140 : vector<16x2xf32> to vector<16x2xbf16>
    %dot_general3A_1142 = arith.constant dense<0.000000e+00> : vector<3200x2xf32>
    %dot_general3A_1143 = tpu.matmul %get3A_1091, %convert_element_type3A_1141, %dot_general3A_1142 {dimension_numbers = #tpu.dot_dimension_numbers<[1], [0], [0], [1], [0, 0, 1, 1], [], []>, transpose_lhs_hint = false} : vector<3200x16xbf16>, vector<16x2xbf16>, vector<3200x2xf32> -> vector<3200x2xf32>
    %convert_element_type3A_1144 = arith.truncf %dot_general3A_1143 : vector<3200x2xf32> to vector<3200x2xbf16>
    %mul3A_1145 = arith.mulf %convert_element_type3A_1135, %convert_element_type3A_1144 : vector<3200x2xbf16>
    %dot_general3A_1146 = arith.constant dense<0.000000e+00> : vector<3200x128xf32>
    %dot_general3A_1147 = tpu.matmul %mul3A_1145, %convert_element_type3A_1120, %dot_general3A_1146 {dimension_numbers = #tpu.dot_dimension_numbers<[1], [1], [0], [0], [0, 0, 1, 0], [], []>, transpose_lhs_hint = false} : vector<3200x2xbf16>, vector<128x2xbf16>, vector<3200x128xf32> -> vector<3200x128xf32>
    %slice3A_1148 = vector.extract_strided_slice %convert_element_type3A_828 {offsets = [0, 128], sizes = [3200, 128], strides = [1, 1]} : vector<3200x256xbf16> to vector<3200x128xbf16>
    %convert_element_type3A_1149 = arith.truncf %dot_general3A_1147 : vector<3200x128xf32> to vector<3200x128xbf16>
    %mul3A_1150 = arith.mulf %slice3A_1148, %convert_element_type3A_1149 : vector<3200x128xbf16>
    %dot_general3A_1151 = arith.constant dense<0.000000e+00> : vector<16x128xf32>
    %dot_general3A_1152 = tpu.matmul %get3A_1091, %mul3A_1150, %dot_general3A_1151 {dimension_numbers = #tpu.dot_dimension_numbers<[0], [0], [1], [1], [0, 1, 1, 1], [], []>, transpose_lhs_hint = false} : vector<3200x16xbf16>, vector<3200x128xbf16>, vector<16x128xf32> -> vector<16x128xf32>
    %convert_element_type3A_1153 = arith.truncf %dot_general3A_1152 : vector<16x128xf32> to vector<16x128xbf16>
    %get3A_1154 = arith.constant 1 : index
    %get3A_1155 = arith.constant 0 : index
    %get3A_1156 = arith.constant 0 : index
    %get3A_1157 = vector.load %arg15[%get3A_1154, %get3A_1155, %get3A_1156] : memref<2x128x128xbf16, #tpu.memory_space<vmem>>, vector<1x128x128xbf16>
    %get3A_1158 = vector.shape_cast %get3A_1157 : vector<1x128x128xbf16> to vector<128x128xbf16>
    %dot_general3A_1159 = arith.constant dense<0.000000e+00> : vector<16x128xf32>
    %dot_general3A_1160 = tpu.matmul %convert_element_type3A_1153, %get3A_1158, %dot_general3A_1159 {dimension_numbers = #tpu.dot_dimension_numbers<[1], [1], [0], [0], [0, 0, 1, 0], [], []>, transpose_lhs_hint = false} : vector<16x128xbf16>, vector<128x128xbf16>, vector<16x128xf32> -> vector<16x128xf32>
    %get3A_1161 = arith.constant 1 : index
    %get3A_1162 = arith.constant 0 : index
    %get3A_1163 = vector.load %arg16[%get3A_1161, %get3A_1162] : memref<2x128xf32, #tpu.memory_space<vmem>>, vector<1x128xf32>
    %get3A_1164 = vector.shape_cast %get3A_1163 : vector<1x128xf32> to vector<128xf32>
    %broadcast_in_dim3A_1165 = vector.shape_cast %get3A_1164 : vector<128xf32> to vector<1x128xf32>
    %add3A_1166 = vector.broadcast %broadcast_in_dim3A_1165 : vector<1x128xf32> to vector<16x128xf32>
    %add3A_1167 = arith.addf %dot_general3A_1160, %add3A_1166 : vector<16x128xf32>
    %add3A_1168 = arith.addf %add3A_1073, %add3A_1167 : vector<16x128xf32>
    %get3A_1169 = arith.constant 1 : index
    %get3A_1170 = arith.constant 0 : index
    %get3A_1171 = vector.load %arg19[%get3A_1169, %get3A_1170] : memref<2x128xf32, #tpu.memory_space<vmem>>, vector<1x128xf32>
    %get3A_1172 = vector.shape_cast %get3A_1171 : vector<1x128xf32> to vector<128xf32>
    %get3A_1173 = arith.constant 1 : index
    %get3A_1174 = arith.constant 0 : index
    %get3A_1175 = vector.load %arg20[%get3A_1173, %get3A_1174] : memref<2x128xf32, #tpu.memory_space<vmem>>, vector<1x128xf32>
    %get3A_1176 = vector.shape_cast %get3A_1175 : vector<1x128xf32> to vector<128xf32>
    %reduce_sum3A_1177 = arith.constant dense<0.000000e+00> : vector<16xf32>
    %reduce_sum3A_1178 = vector.multi_reduction <add>, %add3A_1168, %reduce_sum3A_1177 [1] : vector<16x128xf32> to vector<16xf32>
    %broadcast_in_dim3A_1179 = vector.shape_cast %reduce_sum3A_1178 : vector<16xf32> to vector<16x1xf32>
    %div3A_1180 = arith.constant 1.280000e+02 : f32
    %div3A_1181 = vector.broadcast %div3A_1180 : f32 to vector<16x1xf32>
    %div3A_1182 = arith.divf %broadcast_in_dim3A_1179, %div3A_1181 : vector<16x1xf32>
    %sub3A_1183 = vector.broadcast %div3A_1182 : vector<16x1xf32> to vector<16x128xf32>
    %sub3A_1184 = arith.subf %add3A_1168, %sub3A_1183 : vector<16x128xf32>
    %integer_pow3A_1185 = arith.mulf %sub3A_1184, %sub3A_1184 : vector<16x128xf32>
    %reduce_sum3A_1186 = arith.constant dense<0.000000e+00> : vector<16xf32>
    %reduce_sum3A_1187 = vector.multi_reduction <add>, %integer_pow3A_1185, %reduce_sum3A_1186 [1] : vector<16x128xf32> to vector<16xf32>
    %broadcast_in_dim3A_1188 = vector.shape_cast %reduce_sum3A_1187 : vector<16xf32> to vector<16x1xf32>
    %div3A_1189 = arith.constant 1.280000e+02 : f32
    %div3A_1190 = vector.broadcast %div3A_1189 : f32 to vector<16x1xf32>
    %div3A_1191 = arith.divf %broadcast_in_dim3A_1188, %div3A_1190 : vector<16x1xf32>
    %sub3A_1192 = vector.broadcast %div3A_1182 : vector<16x1xf32> to vector<16x128xf32>
    %sub3A_1193 = arith.subf %add3A_1168, %sub3A_1192 : vector<16x128xf32>
    %add3A_1194 = arith.constant 9.99999993E-9 : f32
    %add3A_1195 = vector.broadcast %add3A_1194 : f32 to vector<16x1xf32>
    %add3A_1196 = arith.addf %div3A_1191, %add3A_1195 : vector<16x1xf32>
    %sqrt3A_1197 = math.sqrt %add3A_1196 : vector<16x1xf32>
    %div3A_1198 = vector.broadcast %sqrt3A_1197 : vector<16x1xf32> to vector<16x128xf32>
    %div3A_1199 = arith.divf %sub3A_1193, %div3A_1198 : vector<16x128xf32>
    %broadcast_in_dim3A_1200 = vector.shape_cast %get3A_1172 : vector<128xf32> to vector<1x128xf32>
    %mul3A_1201 = vector.broadcast %broadcast_in_dim3A_1200 : vector<1x128xf32> to vector<16x128xf32>
    %mul3A_1202 = arith.mulf %div3A_1199, %mul3A_1201 : vector<16x128xf32>
    %broadcast_in_dim3A_1203 = vector.shape_cast %get3A_1176 : vector<128xf32> to vector<1x128xf32>
    %add3A_1204 = vector.broadcast %broadcast_in_dim3A_1203 : vector<1x128xf32> to vector<16x128xf32>
    %add3A_1205 = arith.addf %mul3A_1202, %add3A_1204 : vector<16x128xf32>
    %convert_element_type3A_1206 = arith.truncf %add3A_1205 : vector<16x128xf32> to vector<16x128xbf16>
    %get3A_1207 = arith.constant 1 : index
    %get3A_1208 = arith.constant 0 : index
    %get3A_1209 = arith.constant 0 : index
    %get3A_1210 = vector.load %arg21[%get3A_1207, %get3A_1208, %get3A_1209] : memref<2x128x128xbf16, #tpu.memory_space<vmem>>, vector<1x128x128xbf16>
    %get3A_1211 = vector.shape_cast %get3A_1210 : vector<1x128x128xbf16> to vector<128x128xbf16>
    %dot_general3A_1212 = arith.constant dense<0.000000e+00> : vector<16x128xf32>
    %dot_general3A_1213 = tpu.matmul %convert_element_type3A_1206, %get3A_1211, %dot_general3A_1212 {dimension_numbers = #tpu.dot_dimension_numbers<[1], [1], [0], [0], [0, 0, 1, 0], [], []>, transpose_lhs_hint = false} : vector<16x128xbf16>, vector<128x128xbf16>, vector<16x128xf32> -> vector<16x128xf32>
    %get3A_1214 = arith.constant 1 : index
    %get3A_1215 = arith.constant 0 : index
    %get3A_1216 = vector.load %arg22[%get3A_1214, %get3A_1215] : memref<2x128xf32, #tpu.memory_space<vmem>>, vector<1x128xf32>
    %get3A_1217 = vector.shape_cast %get3A_1216 : vector<1x128xf32> to vector<128xf32>
    %broadcast_in_dim3A_1218 = vector.shape_cast %get3A_1217 : vector<128xf32> to vector<1x128xf32>
    %add3A_1219 = vector.broadcast %broadcast_in_dim3A_1218 : vector<1x128xf32> to vector<16x128xf32>
    %add3A_1220 = arith.addf %dot_general3A_1213, %add3A_1219 : vector<16x128xf32>
    %max3A_1221 = arith.constant 0.000000e+00 : f32
    %max3A_1222 = vector.broadcast %max3A_1221 : f32 to vector<16x128xf32>
    %max3A_1223 = arith.maximumf %add3A_1220, %max3A_1222 : vector<16x128xf32>
    %convert_element_type3A_1224 = arith.truncf %max3A_1223 : vector<16x128xf32> to vector<16x128xbf16>
    %get3A_1225 = arith.constant 1 : index
    %get3A_1226 = arith.constant 0 : index
    %get3A_1227 = arith.constant 0 : index
    %get3A_1228 = vector.load %arg23[%get3A_1225, %get3A_1226, %get3A_1227] : memref<2x128x128xbf16, #tpu.memory_space<vmem>>, vector<1x128x128xbf16>
    %get3A_1229 = vector.shape_cast %get3A_1228 : vector<1x128x128xbf16> to vector<128x128xbf16>
    %dot_general3A_1230 = arith.constant dense<0.000000e+00> : vector<16x128xf32>
    %dot_general3A_1231 = tpu.matmul %convert_element_type3A_1224, %get3A_1229, %dot_general3A_1230 {dimension_numbers = #tpu.dot_dimension_numbers<[1], [1], [0], [0], [0, 0, 1, 0], [], []>, transpose_lhs_hint = false} : vector<16x128xbf16>, vector<128x128xbf16>, vector<16x128xf32> -> vector<16x128xf32>
    %get3A_1232 = arith.constant 1 : index
    %get3A_1233 = arith.constant 0 : index
    %get3A_1234 = vector.load %arg24[%get3A_1232, %get3A_1233] : memref<2x128xf32, #tpu.memory_space<vmem>>, vector<1x128xf32>
    %get3A_1235 = vector.shape_cast %get3A_1234 : vector<1x128xf32> to vector<128xf32>
    %broadcast_in_dim3A_1236 = vector.shape_cast %get3A_1235 : vector<128xf32> to vector<1x128xf32>
    %add3A_1237 = vector.broadcast %broadcast_in_dim3A_1236 : vector<1x128xf32> to vector<16x128xf32>
    %add3A_1238 = arith.addf %dot_general3A_1231, %add3A_1237 : vector<16x128xf32>
    %add3A_1239 = arith.addf %add3A_1238, %add3A_1205 : vector<16x128xf32>
    %get3A_1240 = arith.constant 0 : index
    %get3A_1241 = arith.constant 0 : index
    %get3A_1242 = vector.load %arg5[%get3A_1240, %get3A_1241] : memref<16x1xf32, #tpu.memory_space<vmem>>, vector<16x1xf32>
    %mul3A_1243 = vector.broadcast %get3A_1242 : vector<16x1xf32> to vector<16x128xf32>
    %mul3A_1244 = arith.mulf %add3A_1239, %mul3A_1243 : vector<16x128xf32>
    %get3A_1245 = arith.constant 0 : index
    %get3A_1246 = vector.load %arg25[%get3A_1245] : memref<128xf32, #tpu.memory_space<vmem>>, vector<128xf32>
    %get3A_1247 = arith.constant 0 : index
    %get3A_1248 = vector.load %arg26[%get3A_1247] : memref<128xf32, #tpu.memory_space<vmem>>, vector<128xf32>
    %reduce_sum3A_1249 = arith.constant dense<0.000000e+00> : vector<16xf32>
    %reduce_sum3A_1250 = vector.multi_reduction <add>, %mul3A_1244, %reduce_sum3A_1249 [1] : vector<16x128xf32> to vector<16xf32>
    %broadcast_in_dim3A_1251 = vector.shape_cast %reduce_sum3A_1250 : vector<16xf32> to vector<16x1xf32>
    %div3A_1252 = arith.constant 1.280000e+02 : f32
    %div3A_1253 = vector.broadcast %div3A_1252 : f32 to vector<16x1xf32>
    %div3A_1254 = arith.divf %broadcast_in_dim3A_1251, %div3A_1253 : vector<16x1xf32>
    %sub3A_1255 = vector.broadcast %div3A_1254 : vector<16x1xf32> to vector<16x128xf32>
    %sub3A_1256 = arith.subf %mul3A_1244, %sub3A_1255 : vector<16x128xf32>
    %integer_pow3A_1257 = arith.mulf %sub3A_1256, %sub3A_1256 : vector<16x128xf32>
    %reduce_sum3A_1258 = arith.constant dense<0.000000e+00> : vector<16xf32>
    %reduce_sum3A_1259 = vector.multi_reduction <add>, %integer_pow3A_1257, %reduce_sum3A_1258 [1] : vector<16x128xf32> to vector<16xf32>
    %broadcast_in_dim3A_1260 = vector.shape_cast %reduce_sum3A_1259 : vector<16xf32> to vector<16x1xf32>
    %div3A_1261 = arith.constant 1.280000e+02 : f32
    %div3A_1262 = vector.broadcast %div3A_1261 : f32 to vector<16x1xf32>
    %div3A_1263 = arith.divf %broadcast_in_dim3A_1260, %div3A_1262 : vector<16x1xf32>
    %sub3A_1264 = vector.broadcast %div3A_1254 : vector<16x1xf32> to vector<16x128xf32>
    %sub3A_1265 = arith.subf %mul3A_1244, %sub3A_1264 : vector<16x128xf32>
    %add3A_1266 = arith.constant 9.99999993E-9 : f32
    %add3A_1267 = vector.broadcast %add3A_1266 : f32 to vector<16x1xf32>
    %add3A_1268 = arith.addf %div3A_1263, %add3A_1267 : vector<16x1xf32>
    %sqrt3A_1269 = math.sqrt %add3A_1268 : vector<16x1xf32>
    %div3A_1270 = vector.broadcast %sqrt3A_1269 : vector<16x1xf32> to vector<16x128xf32>
    %div3A_1271 = arith.divf %sub3A_1265, %div3A_1270 : vector<16x128xf32>
    %broadcast_in_dim3A_1272 = vector.shape_cast %get3A_1246 : vector<128xf32> to vector<1x128xf32>
    %mul3A_1273 = vector.broadcast %broadcast_in_dim3A_1272 : vector<1x128xf32> to vector<16x128xf32>
    %mul3A_1274 = arith.mulf %div3A_1271, %mul3A_1273 : vector<16x128xf32>
    %broadcast_in_dim3A_1275 = vector.shape_cast %get3A_1248 : vector<128xf32> to vector<1x128xf32>
    %add3A_1276 = vector.broadcast %broadcast_in_dim3A_1275 : vector<1x128xf32> to vector<16x128xf32>
    %add3A_1277 = arith.addf %mul3A_1274, %add3A_1276 : vector<16x128xf32>
    %swap3A_1278 = arith.constant 0 : index
    %swap3A_1279 = arith.constant 0 : index
    %swap3A_1280 = vector.load %arg27[%swap3A_1278, %swap3A_1279] : memref<16x128xf32, #tpu.memory_space<vmem>>, vector<16x128xf32>
    tpu.vector_store %arg27[%swap3A_1278, %swap3A_1279], %add3A_1277 {strides = array<i32>} : memref<16x128xf32, #tpu.memory_space<vmem>>, vector<16x128xf32>,
    return
  }
  func.func @transform_0(%arg0: i32, %arg1: memref<1024xi32, #tpu.memory_space<smem>>) -> (i32, i32) {
    %c0_i32 = arith.constant 0 : i32
    %c0_i32_0 = arith.constant 0 : i32
    return %arg0, %c0_i32 : i32, i32
  }
  func.func @transform_1(%arg0: i32, %arg1: memref<1024xi32, #tpu.memory_space<smem>>) -> (i32, i32) {
    %c0_i32 = arith.constant 0 : i32
    %c0_i32_0 = arith.constant 0 : i32
    %c0_i32_1 = arith.constant 0 : i32
    return %c0_i32, %c0_i32_0 : i32, i32
  }
  func.func @transform_2(%arg0: i32, %arg1: memref<1024xi32, #tpu.memory_space<smem>>) -> (i32, i32) {
    %c0_i32 = arith.constant 0 : i32
    %c0_i32_0 = arith.constant 0 : i32
    return %arg0, %c0_i32 : i32, i32
  }
  func.func @transform_3(%arg0: i32, %arg1: memref<1024xi32, #tpu.memory_space<smem>>) -> (i32, i32) {
    %c0_i32 = arith.constant 0 : i32
    %c0_i32_0 = arith.constant 0 : i32
    return %arg0, %c0_i32 : i32, i32
  }
  func.func @transform_4(%arg0: i32, %arg1: memref<1024xi32, #tpu.memory_space<smem>>) -> (i32, i32) {
    %c0_i32 = arith.constant 0 : i32
    %c0_i32_0 = arith.constant 0 : i32
    return %arg0, %c0_i32 : i32, i32
  }
  func.func @transform_5(%arg0: i32, %arg1: memref<1024xi32, #tpu.memory_space<smem>>) -> (i32, i32) {
    %c0_i32 = arith.constant 0 : i32
    %c0_i32_0 = arith.constant 0 : i32
    %c0_i32_1 = arith.constant 0 : i32
    return %c0_i32, %c0_i32_0 : i32, i32
  }
  func.func @transform_6(%arg0: i32, %arg1: memref<1024xi32, #tpu.memory_space<smem>>) -> (i32, i32) {
    %c0_i32 = arith.constant 0 : i32
    %c0_i32_0 = arith.constant 0 : i32
    %c0_i32_1 = arith.constant 0 : i32
    return %c0_i32, %c0_i32_0 : i32, i32
  }
  func.func @transform_7(%arg0: i32, %arg1: memref<1024xi32, #tpu.memory_space<smem>>) -> (i32, i32, i32) {
    %c0_i32 = arith.constant 0 : i32
    %c0_i32_0 = arith.constant 0 : i32
    %c0_i32_1 = arith.constant 0 : i32
    %c0_i32_2 = arith.constant 0 : i32
    return %c0_i32, %c0_i32_0, %c0_i32_1 : i32, i32, i32
  }
  func.func @transform_8(%arg0: i32, %arg1: memref<1024xi32, #tpu.memory_space<smem>>) -> (i32, i32) {
    %c0_i32 = arith.constant 0 : i32
    %c0_i32_0 = arith.constant 0 : i32
    %c0_i32_1 = arith.constant 0 : i32
    return %c0_i32, %c0_i32_0 : i32, i32
  }
  func.func @transform_9(%arg0: i32, %arg1: memref<1024xi32, #tpu.memory_space<smem>>) -> (i32, i32) {
    %c0_i32 = arith.constant 0 : i32
    %c0_i32_0 = arith.constant 0 : i32
    %c0_i32_1 = arith.constant 0 : i32
    return %c0_i32, %c0_i32_0 : i32, i32
  }
  func.func @transform_10(%arg0: i32, %arg1: memref<1024xi32, #tpu.memory_space<smem>>) -> i32 {
    %c0_i32 = arith.constant 0 : i32
    %c0_i32_0 = arith.constant 0 : i32
    return %c0_i32 : i32
  }
  func.func @transform_11(%arg0: i32, %arg1: memref<1024xi32, #tpu.memory_space<smem>>) -> (i32, i32) {
    %c0_i32 = arith.constant 0 : i32
    %c0_i32_0 = arith.constant 0 : i32
    %c0_i32_1 = arith.constant 0 : i32
    return %c0_i32, %c0_i32_0 : i32, i32
  }
  func.func @transform_12(%arg0: i32, %arg1: memref<1024xi32, #tpu.memory_space<smem>>) -> i32 {
    %c0_i32 = arith.constant 0 : i32
    %c0_i32_0 = arith.constant 0 : i32
    return %c0_i32 : i32
  }
  func.func @transform_13(%arg0: i32, %arg1: memref<1024xi32, #tpu.memory_space<smem>>) -> (i32, i32, i32) {
    %c0_i32 = arith.constant 0 : i32
    %c0_i32_0 = arith.constant 0 : i32
    %c0_i32_1 = arith.constant 0 : i32
    %c0_i32_2 = arith.constant 0 : i32
    return %c0_i32, %c0_i32_0, %c0_i32_1 : i32, i32, i32
  }
  func.func @transform_14(%arg0: i32, %arg1: memref<1024xi32, #tpu.memory_space<smem>>) -> (i32, i32) {
    %c0_i32 = arith.constant 0 : i32
    %c0_i32_0 = arith.constant 0 : i32
    %c0_i32_1 = arith.constant 0 : i32
    return %c0_i32, %c0_i32_0 : i32, i32
  }
  func.func @transform_15(%arg0: i32, %arg1: memref<1024xi32, #tpu.memory_space<smem>>) -> (i32, i32) {
    %c0_i32 = arith.constant 0 : i32
    %c0_i32_0 = arith.constant 0 : i32
    %c0_i32_1 = arith.constant 0 : i32
    return %c0_i32, %c0_i32_0 : i32, i32
  }
  func.func @transform_16(%arg0: i32, %arg1: memref<1024xi32, #tpu.memory_space<smem>>) -> (i32, i32) {
    %c0_i32 = arith.constant 0 : i32
    %c0_i32_0 = arith.constant 0 : i32
    %c0_i32_1 = arith.constant 0 : i32
    return %c0_i32, %c0_i32_0 : i32, i32
  }
  func.func @transform_17(%arg0: i32, %arg1: memref<1024xi32, #tpu.memory_space<smem>>) -> (i32, i32) {
    %c0_i32 = arith.constant 0 : i32
    %c0_i32_0 = arith.constant 0 : i32
    %c0_i32_1 = arith.constant 0 : i32
    return %c0_i32, %c0_i32_0 : i32, i32
  }
  func.func @transform_18(%arg0: i32, %arg1: memref<1024xi32, #tpu.memory_space<smem>>) -> (i32, i32) {
    %c0_i32 = arith.constant 0 : i32
    %c0_i32_0 = arith.constant 0 : i32
    %c0_i32_1 = arith.constant 0 : i32
    return %c0_i32, %c0_i32_0 : i32, i32
  }
  func.func @transform_19(%arg0: i32, %arg1: memref<1024xi32, #tpu.memory_space<smem>>) -> (i32, i32, i32) {
    %c0_i32 = arith.constant 0 : i32
    %c0_i32_0 = arith.constant 0 : i32
    %c0_i32_1 = arith.constant 0 : i32
    %c0_i32_2 = arith.constant 0 : i32
    return %c0_i32, %c0_i32_0, %c0_i32_1 : i32, i32, i32
  }
  func.func @transform_20(%arg0: i32, %arg1: memref<1024xi32, #tpu.memory_space<smem>>) -> (i32, i32) {
    %c0_i32 = arith.constant 0 : i32
    %c0_i32_0 = arith.constant 0 : i32
    %c0_i32_1 = arith.constant 0 : i32
    return %c0_i32, %c0_i32_0 : i32, i32
  }
  func.func @transform_21(%arg0: i32, %arg1: memref<1024xi32, #tpu.memory_space<smem>>) -> (i32, i32, i32) {
    %c0_i32 = arith.constant 0 : i32
    %c0_i32_0 = arith.constant 0 : i32
    %c0_i32_1 = arith.constant 0 : i32
    %c0_i32_2 = arith.constant 0 : i32
    return %c0_i32, %c0_i32_0, %c0_i32_1 : i32, i32, i32
  }
  func.func @transform_22(%arg0: i32, %arg1: memref<1024xi32, #tpu.memory_space<smem>>) -> (i32, i32) {
    %c0_i32 = arith.constant 0 : i32
    %c0_i32_0 = arith.constant 0 : i32
    %c0_i32_1 = arith.constant 0 : i32
    return %c0_i32, %c0_i32_0 : i32, i32
  }
  func.func @transform_23(%arg0: i32, %arg1: memref<1024xi32, #tpu.memory_space<smem>>) -> i32 {
    %c0_i32 = arith.constant 0 : i32
    %c0_i32_0 = arith.constant 0 : i32
    return %c0_i32 : i32
  }
  func.func @transform_24(%arg0: i32, %arg1: memref<1024xi32, #tpu.memory_space<smem>>) -> i32 {
    %c0_i32 = arith.constant 0 : i32
    %c0_i32_0 = arith.constant 0 : i32
    return %c0_i32 : i32
  }
  func.func @transform_25(%arg0: i32, %arg1: memref<1024xi32, #tpu.memory_space<smem>>) -> (i32, i32) {
    %c0_i32 = arith.constant 0 : i32
    %c0_i32_0 = arith.constant 0 : i32
    return %arg0, %c0_i32 : i32, i32
  }
}

module attributes {stable_mosaic.version = 14 : i64} {
  func.func @_adapter_body(%arg0: memref<1024x128xf32, #tpu.memory_space<vmem>>, %arg1: memref<1024x8xf32, #tpu.memory_space<vmem>>, %arg2: memref<256x128xf32, #tpu.memory_space<vmem>>, %arg3: memref<8x32xf32, #tpu.memory_space<vmem>>, %arg4: memref<1024x32xf32, #tpu.memory_space<vmem>>, %arg5: memref<8x128xf32, #tpu.memory_space<vmem>>, %arg6: memref<1024x128xbf16, #tpu.memory_space<vmem>>) attributes {dimension_semantics = [], scalar_prefetch = 0 : i64, scratch_operands = 0 : i64, tpu.core_type = #tpu.core_type<tc>} {
    %get3A = arith.constant 0 : index
    %get3A_0 = arith.constant 0 : index
    %get3A_1 = vector.load %arg0[%get3A, %get3A_0] : memref<1024x128xf32, #tpu.memory_space<vmem>>, vector<1024x128xf32>
    %get3A_2 = arith.constant 0 : index
    %get3A_3 = arith.constant 0 : index
    %get3A_4 = vector.load %arg1[%get3A_2, %get3A_3] : memref<1024x8xf32, #tpu.memory_space<vmem>>, vector<1024x8xf32>
    %get3A_5 = arith.constant 0 : index
    %get3A_6 = arith.constant 0 : index
    %get3A_7 = vector.load %arg3[%get3A_5, %get3A_6] : memref<8x32xf32, #tpu.memory_space<vmem>>, vector<8x32xf32>
    %dot_general3A = arith.constant dense<0.000000e+00> : vector<1024x32xf32>
    %dot_general3A_8 = tpu.matmul %get3A_4, %get3A_7, %dot_general3A {dimension_numbers = #tpu.dot_dimension_numbers<[1], [0], [0], [1], [0, 0, 1, 1], [], []>, transpose_lhs_hint = false} : vector<1024x8xf32>, vector<8x32xf32>, vector<1024x32xf32> -> vector<1024x32xf32>
    %get3A_9 = arith.constant 0 : index
    %get3A_10 = arith.constant 0 : index
    %get3A_11 = vector.load %arg2[%get3A_9, %get3A_10] : memref<256x128xf32, #tpu.memory_space<vmem>>, vector<32x128xf32>
    %dot_general3A_12 = arith.constant dense<0.000000e+00> : vector<1024x32xf32>
    %dot_general3A_13 = tpu.matmul %get3A_1, %get3A_11, %dot_general3A_12 {dimension_numbers = #tpu.dot_dimension_numbers<[1], [1], [0], [0], [0, 0, 1, 0], [], []>, transpose_lhs_hint = false} : vector<1024x128xf32>, vector<32x128xf32>, vector<1024x32xf32> -> vector<1024x32xf32>
    %slice3A = vector.extract_strided_slice %get3A_4 {offsets = [0, 0], sizes = [1024, 1], strides = [1, 1]} : vector<1024x8xf32> to vector<1024x1xf32>
    %mul3A = vector.broadcast %slice3A : vector<1024x1xf32> to vector<1024x32xf32>
    %mul3A_14 = arith.mulf %mul3A, %dot_general3A_13 : vector<1024x32xf32>
    %add3A = arith.addf %dot_general3A_8, %mul3A_14 : vector<1024x32xf32>
    %get3A_15 = arith.constant 32 : index
    %get3A_16 = arith.constant 0 : index
    %get3A_17 = vector.load %arg2[%get3A_15, %get3A_16] : memref<256x128xf32, #tpu.memory_space<vmem>>, vector<32x128xf32>
    %dot_general3A_18 = arith.constant dense<0.000000e+00> : vector<1024x32xf32>
    %dot_general3A_19 = tpu.matmul %get3A_1, %get3A_17, %dot_general3A_18 {dimension_numbers = #tpu.dot_dimension_numbers<[1], [1], [0], [0], [0, 0, 1, 0], [], []>, transpose_lhs_hint = false} : vector<1024x128xf32>, vector<32x128xf32>, vector<1024x32xf32> -> vector<1024x32xf32>
    %slice3A_20 = vector.extract_strided_slice %get3A_4 {offsets = [0, 1], sizes = [1024, 1], strides = [1, 1]} : vector<1024x8xf32> to vector<1024x1xf32>
    %mul3A_21 = vector.broadcast %slice3A_20 : vector<1024x1xf32> to vector<1024x32xf32>
    %mul3A_22 = arith.mulf %mul3A_21, %dot_general3A_19 : vector<1024x32xf32>
    %add3A_23 = arith.addf %add3A, %mul3A_22 : vector<1024x32xf32>
    %get3A_24 = arith.constant 64 : index
    %get3A_25 = arith.constant 0 : index
    %get3A_26 = vector.load %arg2[%get3A_24, %get3A_25] : memref<256x128xf32, #tpu.memory_space<vmem>>, vector<32x128xf32>
    %dot_general3A_27 = arith.constant dense<0.000000e+00> : vector<1024x32xf32>
    %dot_general3A_28 = tpu.matmul %get3A_1, %get3A_26, %dot_general3A_27 {dimension_numbers = #tpu.dot_dimension_numbers<[1], [1], [0], [0], [0, 0, 1, 0], [], []>, transpose_lhs_hint = false} : vector<1024x128xf32>, vector<32x128xf32>, vector<1024x32xf32> -> vector<1024x32xf32>
    %slice3A_29 = vector.extract_strided_slice %get3A_4 {offsets = [0, 2], sizes = [1024, 1], strides = [1, 1]} : vector<1024x8xf32> to vector<1024x1xf32>
    %mul3A_30 = vector.broadcast %slice3A_29 : vector<1024x1xf32> to vector<1024x32xf32>
    %mul3A_31 = arith.mulf %mul3A_30, %dot_general3A_28 : vector<1024x32xf32>
    %add3A_32 = arith.addf %add3A_23, %mul3A_31 : vector<1024x32xf32>
    %get3A_33 = arith.constant 96 : index
    %get3A_34 = arith.constant 0 : index
    %get3A_35 = vector.load %arg2[%get3A_33, %get3A_34] : memref<256x128xf32, #tpu.memory_space<vmem>>, vector<32x128xf32>
    %dot_general3A_36 = arith.constant dense<0.000000e+00> : vector<1024x32xf32>
    %dot_general3A_37 = tpu.matmul %get3A_1, %get3A_35, %dot_general3A_36 {dimension_numbers = #tpu.dot_dimension_numbers<[1], [1], [0], [0], [0, 0, 1, 0], [], []>, transpose_lhs_hint = false} : vector<1024x128xf32>, vector<32x128xf32>, vector<1024x32xf32> -> vector<1024x32xf32>
    %slice3A_38 = vector.extract_strided_slice %get3A_4 {offsets = [0, 3], sizes = [1024, 1], strides = [1, 1]} : vector<1024x8xf32> to vector<1024x1xf32>
    %mul3A_39 = vector.broadcast %slice3A_38 : vector<1024x1xf32> to vector<1024x32xf32>
    %mul3A_40 = arith.mulf %mul3A_39, %dot_general3A_37 : vector<1024x32xf32>
    %add3A_41 = arith.addf %add3A_32, %mul3A_40 : vector<1024x32xf32>
    %get3A_42 = arith.constant 128 : index
    %get3A_43 = arith.constant 0 : index
    %get3A_44 = vector.load %arg2[%get3A_42, %get3A_43] : memref<256x128xf32, #tpu.memory_space<vmem>>, vector<32x128xf32>
    %dot_general3A_45 = arith.constant dense<0.000000e+00> : vector<1024x32xf32>
    %dot_general3A_46 = tpu.matmul %get3A_1, %get3A_44, %dot_general3A_45 {dimension_numbers = #tpu.dot_dimension_numbers<[1], [1], [0], [0], [0, 0, 1, 0], [], []>, transpose_lhs_hint = false} : vector<1024x128xf32>, vector<32x128xf32>, vector<1024x32xf32> -> vector<1024x32xf32>
    %slice3A_47 = vector.extract_strided_slice %get3A_4 {offsets = [0, 4], sizes = [1024, 1], strides = [1, 1]} : vector<1024x8xf32> to vector<1024x1xf32>
    %mul3A_48 = vector.broadcast %slice3A_47 : vector<1024x1xf32> to vector<1024x32xf32>
    %mul3A_49 = arith.mulf %mul3A_48, %dot_general3A_46 : vector<1024x32xf32>
    %add3A_50 = arith.addf %add3A_41, %mul3A_49 : vector<1024x32xf32>
    %get3A_51 = arith.constant 160 : index
    %get3A_52 = arith.constant 0 : index
    %get3A_53 = vector.load %arg2[%get3A_51, %get3A_52] : memref<256x128xf32, #tpu.memory_space<vmem>>, vector<32x128xf32>
    %dot_general3A_54 = arith.constant dense<0.000000e+00> : vector<1024x32xf32>
    %dot_general3A_55 = tpu.matmul %get3A_1, %get3A_53, %dot_general3A_54 {dimension_numbers = #tpu.dot_dimension_numbers<[1], [1], [0], [0], [0, 0, 1, 0], [], []>, transpose_lhs_hint = false} : vector<1024x128xf32>, vector<32x128xf32>, vector<1024x32xf32> -> vector<1024x32xf32>
    %slice3A_56 = vector.extract_strided_slice %get3A_4 {offsets = [0, 5], sizes = [1024, 1], strides = [1, 1]} : vector<1024x8xf32> to vector<1024x1xf32>
    %mul3A_57 = vector.broadcast %slice3A_56 : vector<1024x1xf32> to vector<1024x32xf32>
    %mul3A_58 = arith.mulf %mul3A_57, %dot_general3A_55 : vector<1024x32xf32>
    %add3A_59 = arith.addf %add3A_50, %mul3A_58 : vector<1024x32xf32>
    %get3A_60 = arith.constant 192 : index
    %get3A_61 = arith.constant 0 : index
    %get3A_62 = vector.load %arg2[%get3A_60, %get3A_61] : memref<256x128xf32, #tpu.memory_space<vmem>>, vector<32x128xf32>
    %dot_general3A_63 = arith.constant dense<0.000000e+00> : vector<1024x32xf32>
    %dot_general3A_64 = tpu.matmul %get3A_1, %get3A_62, %dot_general3A_63 {dimension_numbers = #tpu.dot_dimension_numbers<[1], [1], [0], [0], [0, 0, 1, 0], [], []>, transpose_lhs_hint = false} : vector<1024x128xf32>, vector<32x128xf32>, vector<1024x32xf32> -> vector<1024x32xf32>
    %slice3A_65 = vector.extract_strided_slice %get3A_4 {offsets = [0, 6], sizes = [1024, 1], strides = [1, 1]} : vector<1024x8xf32> to vector<1024x1xf32>
    %mul3A_66 = vector.broadcast %slice3A_65 : vector<1024x1xf32> to vector<1024x32xf32>
    %mul3A_67 = arith.mulf %mul3A_66, %dot_general3A_64 : vector<1024x32xf32>
    %add3A_68 = arith.addf %add3A_59, %mul3A_67 : vector<1024x32xf32>
    %get3A_69 = arith.constant 224 : index
    %get3A_70 = arith.constant 0 : index
    %get3A_71 = vector.load %arg2[%get3A_69, %get3A_70] : memref<256x128xf32, #tpu.memory_space<vmem>>, vector<32x128xf32>
    %dot_general3A_72 = arith.constant dense<0.000000e+00> : vector<1024x32xf32>
    %dot_general3A_73 = tpu.matmul %get3A_1, %get3A_71, %dot_general3A_72 {dimension_numbers = #tpu.dot_dimension_numbers<[1], [1], [0], [0], [0, 0, 1, 0], [], []>, transpose_lhs_hint = false} : vector<1024x128xf32>, vector<32x128xf32>, vector<1024x32xf32> -> vector<1024x32xf32>
    %slice3A_74 = vector.extract_strided_slice %get3A_4 {offsets = [0, 7], sizes = [1024, 1], strides = [1, 1]} : vector<1024x8xf32> to vector<1024x1xf32>
    %mul3A_75 = vector.broadcast %slice3A_74 : vector<1024x1xf32> to vector<1024x32xf32>
    %mul3A_76 = arith.mulf %mul3A_75, %dot_general3A_73 : vector<1024x32xf32>
    %add3A_77 = arith.addf %add3A_68, %mul3A_76 : vector<1024x32xf32>
    %mul3A_78 = arith.constant 5.000000e-01 : f32
    %mul3A_79 = vector.broadcast %mul3A_78 : f32 to vector<1024x32xf32>
    %mul3A_80 = arith.mulf %add3A_77, %mul3A_79 : vector<1024x32xf32>
    %mul3A_81 = arith.constant 0.707106769 : f32
    %mul3A_82 = vector.broadcast %mul3A_81 : f32 to vector<1024x32xf32>
    %mul3A_83 = arith.mulf %add3A_77, %mul3A_82 : vector<1024x32xf32>
    %sign3A = tpu.bitcast %mul3A_83 : vector<1024x32xf32> -> vector<1024x32xi32>
    %sign3A_84 = arith.constant -2147483648 : i32
    %sign3A_85 = vector.broadcast %sign3A_84 : i32 to vector<1024x32xi32>
    %sign3A_86 = arith.andi %sign3A, %sign3A_85 : vector<1024x32xi32>
    %sign3A_87 = arith.constant 1065353216 : i32
    %sign3A_88 = vector.broadcast %sign3A_87 : i32 to vector<1024x32xi32>
    %sign3A_89 = arith.ori %sign3A_88, %sign3A_86 : vector<1024x32xi32>
    %sign3A_90 = tpu.bitcast %sign3A_89 : vector<1024x32xi32> -> vector<1024x32xf32>
    %sign3A_91 = math.absf %mul3A_83 : vector<1024x32xf32>
    %sign3A_92 = arith.constant 0.000000e+00 : f32
    %sign3A_93 = vector.broadcast %sign3A_92 : f32 to vector<1024x32xf32>
    %sign3A_94 = arith.cmpf ogt, %sign3A_91, %sign3A_93 : vector<1024x32xf32>
    %sign3A_95 = arith.select %sign3A_94, %sign3A_90, %mul3A_83 : vector<1024x32xi1>, vector<1024x32xf32>
    %abs3A = math.absf %mul3A_83 : vector<1024x32xf32>
    %mul3A_96 = arith.constant 0.327591091 : f32
    %mul3A_97 = vector.broadcast %mul3A_96 : f32 to vector<1024x32xf32>
    %mul3A_98 = arith.mulf %mul3A_97, %abs3A : vector<1024x32xf32>
    %add3A_99 = arith.constant 1.000000e+00 : f32
    %add3A_100 = vector.broadcast %add3A_99 : f32 to vector<1024x32xf32>
    %add3A_101 = arith.addf %add3A_100, %mul3A_98 : vector<1024x32xf32>
    %div3A = arith.constant 1.000000e+00 : f32
    %div3A_102 = vector.broadcast %div3A : f32 to vector<1024x32xf32>
    %div3A_103 = arith.divf %div3A_102, %add3A_101 : vector<1024x32xf32>
    %mul3A_104 = arith.constant 1.06140542 : f32
    %mul3A_105 = vector.broadcast %mul3A_104 : f32 to vector<1024x32xf32>
    %mul3A_106 = arith.mulf %mul3A_105, %div3A_103 : vector<1024x32xf32>
    %add3A_107 = arith.constant -1.45315206 : f32
    %add3A_108 = vector.broadcast %add3A_107 : f32 to vector<1024x32xf32>
    %add3A_109 = arith.addf %mul3A_106, %add3A_108 : vector<1024x32xf32>
    %mul3A_110 = arith.mulf %add3A_109, %div3A_103 : vector<1024x32xf32>
    %add3A_111 = arith.constant 1.42141378 : f32
    %add3A_112 = vector.broadcast %add3A_111 : f32 to vector<1024x32xf32>
    %add3A_113 = arith.addf %mul3A_110, %add3A_112 : vector<1024x32xf32>
    %mul3A_114 = arith.mulf %add3A_113, %div3A_103 : vector<1024x32xf32>
    %add3A_115 = arith.constant -0.284496725 : f32
    %add3A_116 = vector.broadcast %add3A_115 : f32 to vector<1024x32xf32>
    %add3A_117 = arith.addf %mul3A_114, %add3A_116 : vector<1024x32xf32>
    %mul3A_118 = arith.mulf %add3A_117, %div3A_103 : vector<1024x32xf32>
    %add3A_119 = arith.constant 0.254829586 : f32
    %add3A_120 = vector.broadcast %add3A_119 : f32 to vector<1024x32xf32>
    %add3A_121 = arith.addf %mul3A_118, %add3A_120 : vector<1024x32xf32>
    %mul3A_122 = arith.mulf %add3A_121, %div3A_103 : vector<1024x32xf32>
    %neg3A = arith.constant 0.000000e+00 : f32
    %neg3A_123 = vector.broadcast %neg3A : f32 to vector<1024x32xf32>
    %neg3A_124 = arith.subf %neg3A_123, %abs3A : vector<1024x32xf32>
    %mul3A_125 = arith.mulf %neg3A_124, %abs3A : vector<1024x32xf32>
    %exp3A = math.exp %mul3A_125 : vector<1024x32xf32>
    %mul3A_126 = arith.mulf %mul3A_122, %exp3A : vector<1024x32xf32>
    %sub3A = arith.constant 1.000000e+00 : f32
    %sub3A_127 = vector.broadcast %sub3A : f32 to vector<1024x32xf32>
    %sub3A_128 = arith.subf %sub3A_127, %mul3A_126 : vector<1024x32xf32>
    %mul3A_129 = arith.mulf %sign3A_95, %sub3A_128 : vector<1024x32xf32>
    %add3A_130 = arith.constant 1.000000e+00 : f32
    %add3A_131 = vector.broadcast %add3A_130 : f32 to vector<1024x32xf32>
    %add3A_132 = arith.addf %add3A_131, %mul3A_129 : vector<1024x32xf32>
    %mul3A_133 = arith.mulf %mul3A_80, %add3A_132 : vector<1024x32xf32>
    %get3A_134 = arith.constant 0 : index
    %get3A_135 = arith.constant 0 : index
    %get3A_136 = vector.load %arg5[%get3A_134, %get3A_135] : memref<8x128xf32, #tpu.memory_space<vmem>>, vector<8x128xf32>
    %dot_general3A_137 = arith.constant dense<0.000000e+00> : vector<1024x128xf32>
    %dot_general3A_138 = tpu.matmul %get3A_4, %get3A_136, %dot_general3A_137 {dimension_numbers = #tpu.dot_dimension_numbers<[1], [0], [0], [1], [0, 0, 1, 1], [], []>, transpose_lhs_hint = false} : vector<1024x8xf32>, vector<8x128xf32>, vector<1024x128xf32> -> vector<1024x128xf32>
    %get3A_139 = arith.constant 0 : index
    %get3A_140 = arith.constant 0 : index
    %get3A_141 = vector.load %arg4[%get3A_139, %get3A_140] : memref<1024x32xf32, #tpu.memory_space<vmem>>, vector<128x32xf32>
    %dot_general3A_142 = arith.constant dense<0.000000e+00> : vector<1024x128xf32>
    %dot_general3A_143 = tpu.matmul %mul3A_133, %get3A_141, %dot_general3A_142 {dimension_numbers = #tpu.dot_dimension_numbers<[1], [1], [0], [0], [0, 0, 1, 0], [], []>, transpose_lhs_hint = false} : vector<1024x32xf32>, vector<128x32xf32>, vector<1024x128xf32> -> vector<1024x128xf32>
    %slice3A_144 = vector.extract_strided_slice %get3A_4 {offsets = [0, 0], sizes = [1024, 1], strides = [1, 1]} : vector<1024x8xf32> to vector<1024x1xf32>
    %mul3A_145 = vector.broadcast %slice3A_144 : vector<1024x1xf32> to vector<1024x128xf32>
    %mul3A_146 = arith.mulf %mul3A_145, %dot_general3A_143 : vector<1024x128xf32>
    %add3A_147 = arith.addf %dot_general3A_138, %mul3A_146 : vector<1024x128xf32>
    %get3A_148 = arith.constant 128 : index
    %get3A_149 = arith.constant 0 : index
    %get3A_150 = vector.load %arg4[%get3A_148, %get3A_149] : memref<1024x32xf32, #tpu.memory_space<vmem>>, vector<128x32xf32>
    %dot_general3A_151 = arith.constant dense<0.000000e+00> : vector<1024x128xf32>
    %dot_general3A_152 = tpu.matmul %mul3A_133, %get3A_150, %dot_general3A_151 {dimension_numbers = #tpu.dot_dimension_numbers<[1], [1], [0], [0], [0, 0, 1, 0], [], []>, transpose_lhs_hint = false} : vector<1024x32xf32>, vector<128x32xf32>, vector<1024x128xf32> -> vector<1024x128xf32>
    %slice3A_153 = vector.extract_strided_slice %get3A_4 {offsets = [0, 1], sizes = [1024, 1], strides = [1, 1]} : vector<1024x8xf32> to vector<1024x1xf32>
    %mul3A_154 = vector.broadcast %slice3A_153 : vector<1024x1xf32> to vector<1024x128xf32>
    %mul3A_155 = arith.mulf %mul3A_154, %dot_general3A_152 : vector<1024x128xf32>
    %add3A_156 = arith.addf %add3A_147, %mul3A_155 : vector<1024x128xf32>
    %get3A_157 = arith.constant 256 : index
    %get3A_158 = arith.constant 0 : index
    %get3A_159 = vector.load %arg4[%get3A_157, %get3A_158] : memref<1024x32xf32, #tpu.memory_space<vmem>>, vector<128x32xf32>
    %dot_general3A_160 = arith.constant dense<0.000000e+00> : vector<1024x128xf32>
    %dot_general3A_161 = tpu.matmul %mul3A_133, %get3A_159, %dot_general3A_160 {dimension_numbers = #tpu.dot_dimension_numbers<[1], [1], [0], [0], [0, 0, 1, 0], [], []>, transpose_lhs_hint = false} : vector<1024x32xf32>, vector<128x32xf32>, vector<1024x128xf32> -> vector<1024x128xf32>
    %slice3A_162 = vector.extract_strided_slice %get3A_4 {offsets = [0, 2], sizes = [1024, 1], strides = [1, 1]} : vector<1024x8xf32> to vector<1024x1xf32>
    %mul3A_163 = vector.broadcast %slice3A_162 : vector<1024x1xf32> to vector<1024x128xf32>
    %mul3A_164 = arith.mulf %mul3A_163, %dot_general3A_161 : vector<1024x128xf32>
    %add3A_165 = arith.addf %add3A_156, %mul3A_164 : vector<1024x128xf32>
    %get3A_166 = arith.constant 384 : index
    %get3A_167 = arith.constant 0 : index
    %get3A_168 = vector.load %arg4[%get3A_166, %get3A_167] : memref<1024x32xf32, #tpu.memory_space<vmem>>, vector<128x32xf32>
    %dot_general3A_169 = arith.constant dense<0.000000e+00> : vector<1024x128xf32>
    %dot_general3A_170 = tpu.matmul %mul3A_133, %get3A_168, %dot_general3A_169 {dimension_numbers = #tpu.dot_dimension_numbers<[1], [1], [0], [0], [0, 0, 1, 0], [], []>, transpose_lhs_hint = false} : vector<1024x32xf32>, vector<128x32xf32>, vector<1024x128xf32> -> vector<1024x128xf32>
    %slice3A_171 = vector.extract_strided_slice %get3A_4 {offsets = [0, 3], sizes = [1024, 1], strides = [1, 1]} : vector<1024x8xf32> to vector<1024x1xf32>
    %mul3A_172 = vector.broadcast %slice3A_171 : vector<1024x1xf32> to vector<1024x128xf32>
    %mul3A_173 = arith.mulf %mul3A_172, %dot_general3A_170 : vector<1024x128xf32>
    %add3A_174 = arith.addf %add3A_165, %mul3A_173 : vector<1024x128xf32>
    %get3A_175 = arith.constant 512 : index
    %get3A_176 = arith.constant 0 : index
    %get3A_177 = vector.load %arg4[%get3A_175, %get3A_176] : memref<1024x32xf32, #tpu.memory_space<vmem>>, vector<128x32xf32>
    %dot_general3A_178 = arith.constant dense<0.000000e+00> : vector<1024x128xf32>
    %dot_general3A_179 = tpu.matmul %mul3A_133, %get3A_177, %dot_general3A_178 {dimension_numbers = #tpu.dot_dimension_numbers<[1], [1], [0], [0], [0, 0, 1, 0], [], []>, transpose_lhs_hint = false} : vector<1024x32xf32>, vector<128x32xf32>, vector<1024x128xf32> -> vector<1024x128xf32>
    %slice3A_180 = vector.extract_strided_slice %get3A_4 {offsets = [0, 4], sizes = [1024, 1], strides = [1, 1]} : vector<1024x8xf32> to vector<1024x1xf32>
    %mul3A_181 = vector.broadcast %slice3A_180 : vector<1024x1xf32> to vector<1024x128xf32>
    %mul3A_182 = arith.mulf %mul3A_181, %dot_general3A_179 : vector<1024x128xf32>
    %add3A_183 = arith.addf %add3A_174, %mul3A_182 : vector<1024x128xf32>
    %get3A_184 = arith.constant 640 : index
    %get3A_185 = arith.constant 0 : index
    %get3A_186 = vector.load %arg4[%get3A_184, %get3A_185] : memref<1024x32xf32, #tpu.memory_space<vmem>>, vector<128x32xf32>
    %dot_general3A_187 = arith.constant dense<0.000000e+00> : vector<1024x128xf32>
    %dot_general3A_188 = tpu.matmul %mul3A_133, %get3A_186, %dot_general3A_187 {dimension_numbers = #tpu.dot_dimension_numbers<[1], [1], [0], [0], [0, 0, 1, 0], [], []>, transpose_lhs_hint = false} : vector<1024x32xf32>, vector<128x32xf32>, vector<1024x128xf32> -> vector<1024x128xf32>
    %slice3A_189 = vector.extract_strided_slice %get3A_4 {offsets = [0, 5], sizes = [1024, 1], strides = [1, 1]} : vector<1024x8xf32> to vector<1024x1xf32>
    %mul3A_190 = vector.broadcast %slice3A_189 : vector<1024x1xf32> to vector<1024x128xf32>
    %mul3A_191 = arith.mulf %mul3A_190, %dot_general3A_188 : vector<1024x128xf32>
    %add3A_192 = arith.addf %add3A_183, %mul3A_191 : vector<1024x128xf32>
    %get3A_193 = arith.constant 768 : index
    %get3A_194 = arith.constant 0 : index
    %get3A_195 = vector.load %arg4[%get3A_193, %get3A_194] : memref<1024x32xf32, #tpu.memory_space<vmem>>, vector<128x32xf32>
    %dot_general3A_196 = arith.constant dense<0.000000e+00> : vector<1024x128xf32>
    %dot_general3A_197 = tpu.matmul %mul3A_133, %get3A_195, %dot_general3A_196 {dimension_numbers = #tpu.dot_dimension_numbers<[1], [1], [0], [0], [0, 0, 1, 0], [], []>, transpose_lhs_hint = false} : vector<1024x32xf32>, vector<128x32xf32>, vector<1024x128xf32> -> vector<1024x128xf32>
    %slice3A_198 = vector.extract_strided_slice %get3A_4 {offsets = [0, 6], sizes = [1024, 1], strides = [1, 1]} : vector<1024x8xf32> to vector<1024x1xf32>
    %mul3A_199 = vector.broadcast %slice3A_198 : vector<1024x1xf32> to vector<1024x128xf32>
    %mul3A_200 = arith.mulf %mul3A_199, %dot_general3A_197 : vector<1024x128xf32>
    %add3A_201 = arith.addf %add3A_192, %mul3A_200 : vector<1024x128xf32>
    %get3A_202 = arith.constant 896 : index
    %get3A_203 = arith.constant 0 : index
    %get3A_204 = vector.load %arg4[%get3A_202, %get3A_203] : memref<1024x32xf32, #tpu.memory_space<vmem>>, vector<128x32xf32>
    %dot_general3A_205 = arith.constant dense<0.000000e+00> : vector<1024x128xf32>
    %dot_general3A_206 = tpu.matmul %mul3A_133, %get3A_204, %dot_general3A_205 {dimension_numbers = #tpu.dot_dimension_numbers<[1], [1], [0], [0], [0, 0, 1, 0], [], []>, transpose_lhs_hint = false} : vector<1024x32xf32>, vector<128x32xf32>, vector<1024x128xf32> -> vector<1024x128xf32>
    %slice3A_207 = vector.extract_strided_slice %get3A_4 {offsets = [0, 7], sizes = [1024, 1], strides = [1, 1]} : vector<1024x8xf32> to vector<1024x1xf32>
    %mul3A_208 = vector.broadcast %slice3A_207 : vector<1024x1xf32> to vector<1024x128xf32>
    %mul3A_209 = arith.mulf %mul3A_208, %dot_general3A_206 : vector<1024x128xf32>
    %add3A_210 = arith.addf %add3A_201, %mul3A_209 : vector<1024x128xf32>
    %add3A_211 = arith.addf %get3A_1, %add3A_210 : vector<1024x128xf32>
    %convert_element_type3A = arith.truncf %add3A_211 : vector<1024x128xf32> to vector<1024x128xbf16>
    %swap3A = arith.constant 0 : index
    %swap3A_212 = arith.constant 0 : index
    %swap3A_213 = vector.load %arg6[%swap3A, %swap3A_212] : memref<1024x128xbf16, #tpu.memory_space<vmem>>, vector<1024x128xbf16>
    tpu.vector_store %arg6[%swap3A, %swap3A_212], %convert_element_type3A {strides = array<i32>} : memref<1024x128xbf16, #tpu.memory_space<vmem>>, vector<1024x128xbf16>,
    return
  }
}

module attributes {stable_mosaic.version = 14 : i64} {
  func.func @_score_body(%arg0: i32, %arg1: memref<1024x128xbf16, #tpu.memory_space<vmem>>, %arg2: memref<2048x128xf32, #tpu.memory_space<vmem>>, %arg3: memref<1024x2048xf32, #tpu.memory_space<vmem>>) attributes {dimension_semantics = [#tpu.dimension_semantics<arbitrary>], iteration_bounds = array<i64: 49>, scalar_prefetch = 0 : i64, scratch_operands = 0 : i64, tpu.core_type = #tpu.core_type<tc>, window_params = [{pipeline_mode = #tpu.pipeline_mode<synchronous>, transform_indices = @transform_0, window_bounds = array<i64: 1024, 128>}, {transform_indices = @transform_1, window_bounds = array<i64: 2048, 128>}, {transform_indices = @transform_2, window_bounds = array<i64: 1024, 2048>}]} {
    %get3A = arith.constant 0 : index
    %get3A_0 = arith.constant 0 : index
    %get3A_1 = vector.load %arg1[%get3A, %get3A_0] : memref<1024x128xbf16, #tpu.memory_space<vmem>>, vector<1024x128xbf16>
    %get3A_2 = arith.constant 0 : index
    %get3A_3 = arith.constant 0 : index
    %get3A_4 = vector.load %arg2[%get3A_2, %get3A_3] : memref<2048x128xf32, #tpu.memory_space<vmem>>, vector<2048x128xf32>
    %convert_element_type3A = arith.truncf %get3A_4 : vector<2048x128xf32> to vector<2048x128xbf16>
    %dot_general3A = arith.constant dense<0.000000e+00> : vector<1024x2048xf32>
    %dot_general3A_5 = tpu.matmul %get3A_1, %convert_element_type3A, %dot_general3A {dimension_numbers = #tpu.dot_dimension_numbers<[1], [1], [0], [0], [0, 0, 1, 0], [], []>, transpose_lhs_hint = false} : vector<1024x128xbf16>, vector<2048x128xbf16>, vector<1024x2048xf32> -> vector<1024x2048xf32>
    %swap3A = arith.constant 0 : index
    %swap3A_6 = arith.constant 0 : index
    %swap3A_7 = vector.load %arg3[%swap3A, %swap3A_6] : memref<1024x2048xf32, #tpu.memory_space<vmem>>, vector<1024x2048xf32>
    tpu.vector_store %arg3[%swap3A, %swap3A_6], %dot_general3A_5 {strides = array<i32>} : memref<1024x2048xf32, #tpu.memory_space<vmem>>, vector<1024x2048xf32>,
    return
  }
  func.func @transform_0(%arg0: i32) -> (i32, i32) {
    %c0_i32 = arith.constant 0 : i32
    %c0_i32_0 = arith.constant 0 : i32
    %c0_i32_1 = arith.constant 0 : i32
    return %c0_i32, %c0_i32_0 : i32, i32
  }
  func.func @transform_1(%arg0: i32) -> (i32, i32) {
    %c0_i32 = arith.constant 0 : i32
    %c0_i32_0 = arith.constant 0 : i32
    return %arg0, %c0_i32 : i32, i32
  }
  func.func @transform_2(%arg0: i32) -> (i32, i32) {
    %c0_i32 = arith.constant 0 : i32
    %c0_i32_0 = arith.constant 0 : i32
    return %c0_i32, %arg0 : i32, i32
  }
}

</mosaic_0001>

<sc_bundles>
// kernel: kernel.6.cloned.1.call-start
scs
__scs_entry_jumppad:
0x0: {  	(pc) =	sbr.rel $0x88, $3  }
0x1: {  	(tag) =	ssettag $0x0;
	lr =	simm.s32 $0x1  }
0x2: {  	[smem:$0x3F8B] =	sst lr;
	_ =	strace $0xD0000000  }
0x3: {  	_ = 	snop  }
0x4: {  	_ = 	snop  }
0x5: {  	_ = 	snop  }
0x6: {  	_ = 	snop  }
0x7: {  	_ = 	snop  }
__scs_overlays_trampoline_lowered:
0x8: {  	[smem:$0x3F9A] =	sst s0  }
0x9: {  	[smem:$0x3F9B] =	sst s1  }
0xa: {  	[smem:$0x3F9C] =	sst s2  }
0xb: {  	[smem:$0x3F9D] =	sst s3  }
0xc: {  	[smem:$0x3F9E] =	sst s4  }
0xd: {  	[smem:$0x3F9F] =	sst s5  }
0xe: {  	[smem:$0x3FA0] =	sst s6  }
0xf: {  	[smem:$0x3FA1] =	sst s7  }
0x10: {  	[smem:$0x3FA2] =	sst s8  }
0x11: {  	[smem:$0x3FA3] =	sst s9;
	s0 =	simm.s32 @!p0 $0x0  }
0x12: {  	s1 =	sld [smem:$0x3F89];
	s0 =	simm.s32 @p0 $0x1  }
0x13: {  	[smem:$0x3FA4] =	sst s0;
	s0 =	simm.s32 @!p1 $0x0  }
0x14: {  	s2 =	sld [smem:$0x3F88];
	s0 =	simm.s32 @p1 $0x1  }
0x15: {  	[smem:$0x3FA5] =	sst s0;
	s0 =	simm.s32 @!p2 $0x0  }
0x16: {  	s3 =	sld [smem:$0x3FDB];
	s0 =	simm.s32 @p2 $0x1  }
0x17: {  	s4 =	simm.s32 $0x1BF5;
	[smem:$0x3FA7] =	sst s0  }
0x18: {  	s0 =	sld [smem:$0x3F8A];
	_ =	swait.ge [sflag:s4], $0x0  }
0x19: {  	s7 =	sld [smem:$0x3F8B]  }
0x1a: {  	s8 =	sadd.s32 $0xFFFFE003, lr  }
0x1b: {  	s9 =	sadd.s32 $0xFFFFFEF7, lr;
	s5 =	simm.s32 $0xFFFFFFFF;
	p2 =	slt.u32 s8, $0xFFFFF086  }
0x1c: {  	p1 =	slt.u32 s9, $0xF7A;
	s5 =	simm.s32 @!p2 $0x0  }
0x1d: {  	s5 =	simm.s32 @p1 $0x1;
	p0 =	seq.s32 s7, s2  }
0x1e: {  	s7 =	smul.u32 @!p0 $0xF7A, s2;
	p2 =	seq.s32 @!p0 s5, $0x0  }
0x1f: {  	s9 =	smul.u32 $0xF7A, s1;
	s8 =	simm.s32 @!p0 $0x1BF5;
	p2 =	por !p2, p0  }
0x20: {  	[sflag:s8] =	ssyncset.s32 @!p0 $0xFFFFF086;
	s6 =	sadd.s32 @!p0 s3, s7;
	s7 =	simm.s32 @!p0 $0x108  }
0x21: {  	s3 =	sadd.s32 s3, s9;
	s6 =	sadd.s32 @!p0 $0x88, s6;
	s7 =	simm.s32 @p2 $0x1082  }
0x22: {  	[simem:s7], [sflag:s8] =	dma.local @!p0 [hbm:s6], $0xF7A  }
0x23: {  	s9 =	sor.u32 $0xD0000000, s2;
	s6 =	simm.s32 $0x108;
	_ =	swait.ge @!p0 [sflag:s8], $0x0  }
0x24: {  	s3 =	sadd.s32 $0x88, s3;
	s6 =	simm.s32 @!p1 $0x1082;
	[sflag:s4] =	ssyncset.s32 $0xFFFFF086  }
0x25: {  	[simem:s6], [sflag:s4] =	dma.local [hbm:s3], $0xF7A  }
0x26: {  	[smem:$0x3F8B] =	sst s1;
	(tag) =	ssettag s2;
	_ =	strace s9  }
0x27: {  	s1 =	sld [smem:$0x3F9B]  }
0x28: {  	s2 =	sld [smem:$0x3F9C]  }
0x29: {  	s4 =	sld [smem:$0x3F9E]  }
0x2a: {  	p0 =	seq.s32 s5, $0x0;
	s5 =	sld [smem:$0x3F9F]  }
0x2b: {  	s6 =	sld [smem:$0x3FA0]  }
0x2c: {  	s7 =	sld [smem:$0x3FA1]  }
0x2d: {  	s3 =	simm.s32 $0x108;
	s8 =	sld [smem:$0x3FA2]  }
0x2e: {  	s3 =	simm.s32 @!p0 $0x1082;
	s9 =	sld [smem:$0x3FA3]  }
0x2f: {  	lr =	sadd.s32 s0, s3;
	s0 =	sld [smem:$0x3F9A]  }
0x30: {  	s3 =	sld [smem:$0x3F9D]  }
0x31: {  	[smem:$0x3FA6] =	sst s10  }
0x32: {  	s10 =	sld [smem:$0x3FA4];
	_ =	sdelay $0x3  }
0x33: {  	p0 =	seq.s32 s10, $0x1;
	s10 =	sld [smem:$0x3FA6];
	_ =	sdelay $0x3  }
0x34: {  	[smem:$0x3FA6] =	sst s10  }
0x35: {  	s10 =	sld [smem:$0x3FA5];
	_ =	sdelay $0x3  }
0x36: {  	p1 =	seq.s32 s10, $0x1;
	s10 =	sld [smem:$0x3FA6];
	_ =	sdelay $0x3  }
0x37: {  	[smem:$0x3FA6] =	sst s10  }
0x38: {  	s10 =	sld [smem:$0x3FA7]  }
0x39: {  	_ = 	snop;
	(pc) =	sbr.ind lr, $3  }
0x3a: {  	_ = 	snop  }
0x3b: {  	_ = 	snop  }
0x3c: {  	p2 =	seq.s32 s10, $0x1;
	s10 =	sld [smem:$0x3FA6]  }
0x3d: {  	_ =	shalt  }
0x3e: {  	_ =	shalt  }
0x3f: {  	_ =	shalt  }
0x40: {  	_ =	shalt  }
0x41: {  	_ =	shalt  }
0x42: {  	_ =	shalt  }
0x43: {  	_ =	shalt  }
0x44: {  	_ =	shalt  }
0x45: {  	_ =	shalt  }
0x46: {  	_ =	shalt  }
0x47: {  	_ =	shalt  }
0x48: {  	_ =	shalt  }
0x49: {  	_ =	shalt  }
0x4a: {  	_ =	shalt  }
0x4b: {  	_ =	shalt  }
0x4c: {  	_ =	shalt  }
0x4d: {  	_ =	shalt  }
0x4e: {  	_ =	shalt  }
0x4f: {  	_ =	shalt  }
0x50: {  	_ =	shalt  }
0x51: {  	_ =	shalt  }
0x52: {  	_ =	shalt  }
0x53: {  	_ =	shalt  }
0x54: {  	_ =	shalt  }
0x55: {  	_ =	shalt  }
0x56: {  	_ =	shalt  }
0x57: {  	_ =	shalt  }
0x58: {  	_ =	shalt  }
0x59: {  	_ =	shalt  }
0x5a: {  	_ =	shalt  }
0x5b: {  	_ =	shalt  }
0x5c: {  	_ =	shalt  }
0x5d: {  	_ =	shalt  }
0x5e: {  	_ =	shalt  }
0x5f: {  	_ =	shalt  }
0x60: {  	_ =	shalt  }
0x61: {  	_ =	shalt  }
0x62: {  	_ =	shalt  }
0x63: {  	_ =	shalt  }
0x64: {  	_ =	shalt  }
0x65: {  	_ =	shalt  }
0x66: {  	_ =	shalt  }
0x67: {  	_ =	shalt  }
0x68: {  	_ =	shalt  }
0x69: {  	_ =	shalt  }
0x6a: {  	_ =	shalt  }
0x6b: {  	_ =	shalt  }
0x6c: {  	_ =	shalt  }
0x6d: {  	_ =	shalt  }
0x6e: {  	_ =	shalt  }
0x6f: {  	_ =	shalt  }
0x70: {  	_ =	shalt  }
0x71: {  	_ =	shalt  }
0x72: {  	_ =	shalt  }
0x73: {  	_ =	shalt  }
0x74: {  	_ =	shalt  }
0x75: {  	_ =	shalt  }
0x76: {  	_ =	shalt  }
0x77: {  	_ =	shalt  }
0x78: {  	_ =	shalt  }
0x79: {  	_ =	shalt  }
0x7a: {  	_ =	shalt  }
0x7b: {  	_ =	shalt  }
0x7c: {  	_ =	shalt  }
0x7d: {  	_ =	shalt  }
0x7e: {  	_ =	shalt  }
0x7f: {  	_ =	shalt  }
0x80: {  	_ =	shalt  }
0x81: {  	_ =	shalt  }
0x82: {  	_ =	shalt  }
0x83: {  	_ =	shalt  }
0x84: {  	_ =	shalt  }
0x85: {  	_ =	shalt  }
0x86: {  	_ =	shalt  }
0x87: {  	_ =	shalt  }
.Lfunc_end0:
.L_simem_size_0:
called_computation_lowered:
.L_overlay_start_0:
0x88: {  	s2 =	sld [smem:$0x3FD9]  }
0x89: {  	s3 =	sld [smem:$0x3FFE];
	_ =	sdelay $0x1  }
0x8a: {  	s1 =	srdreg.scid  }
0x8b: {  	s0 =	sand.u32 $0x1, s1  }
0x8c: {  	s17 =	sshll.u32 s0, $0xA;
	s2 =	sadd.s32 s3, s2  }
0x8d: {  	s2 =	sadd.s32 s2, s17  }
0x8e: {  	[smem:$0x3FB2] =	sst s2  }
0x8f: {  	_ = 	snop  }
0x90: {  	s2 =	sld [smem:$0x3FC7];
	(tm) =	ssettm $0x1  }
0x91: {  	s18 =	sld [smem:$0x3FFB];
	_ =	sdelay $0x3  }
0x92: {  	_ =	strace s18  }
0x93: {  	s3 =	sld [smem:$0x3FFC];
	_ =	sdelay $0x3  }
0x94: {  	_ =	strace s3  }
0x95: {  	s3 =	sld [smem:$0x3FFD];
	_ =	sdelay $0x3  }
0x96: {  	_ =	strace s3  }
0x97: {  	_ =	strace $0x8FFFFFFF  }
0x98: {  	s19 =	sld [smem:$0x3FDB];
	_ =	sdelay $0x1  }
0x99: {  	s4 =	simm.s32 $_scs_section_size  }
0x9a: {  	s5 =	simm.s32 $_size__tile_overlayer_lowered;
	s6 =	simm.s32 $_tile_overlayer_lowered  }
0x9b: {  	s22 =	simm.s32 $0x1BFF;
	s21 =	sshll.u32 s6, $0x1;
	s3 =	sadd.s32 s4, s19  }
0x9c: {  	s7 =	simm.s32 $0x0;
	s20 =	sshll.u32 s5, $0x1;
	s5 =	sadd.s32 s21, s3  }
0x9d: {  	[timem:s7], [sflag:s22] =	dma.local [hbm:s5], s20  }
0x9e: {  	_ =	swait.ge [sflag:s22], s20  }
0x9f: {  	s4 =	ssub.s32 $0x0, s20;
	[sflag:s22] =	ssyncset.done $0x0  }
0xa0: {  	[sflag:s22] =	ssyncadd.s32 s4;
	_ =	sdelay $0x1  }
0xa1: {  	s23 =	simm.s32 $0x1B8B  }
0xa2: {  	_ =	swait.ge [sflag:s23], $0x1  }
0xa3: {  	[sflag:s23] =	ssyncset.done $0x0  }
0xa4: {  	s25 =	simm.s32 $0x1B8E;
	s24 =	sld [smem:$0x3FFE];
	[sflag:s23] =	ssyncadd.s32 $0xFFFFFFFF  }
0xa5: {  	s26 =	simm.s32 $execute0_lowered;
	[smem:$0x3FD2] =	sst s25  }
0xa6: {  	s5 =	sshll.u32 s26, $0x1;
	_ =	strace $0x80000046;
	[dreg:$0x1] =	wrdreg $0xFFFFFFFF  }
0xa7: {  	s28 =	simm.s32 $_size_execute0_lowered;
	s3 =	sadd.s32 s3, s5;
	[dreg:$0x0] =	wrdreg $0x0  }
0xa8: {  	s5 =	sshll.u32 s28, $0x1;
	[dreg:$0x2] =	wrdreg s3  }
0xa9: {  	[dreg:$0x3] =	wrdreg s5  }
0xaa: {  	[dreg:$0x4] =	wrdreg $0xC0  }
0xab: {  	_ =	task [dreg:s7], $0x5FFFF  }
0xac: {  	[dreg:$0x1] =	wrdreg $0xFFFFFFFF  }
0xad: {  	[dreg:$0x0] =	wrdreg $0x60  }
0xae: {  	[dreg:$0x2] =	wrdreg s2  }
0xaf: {  	[dreg:$0x3] =	wrdreg s24  }
0xb0: {  	[dreg:$0x4] =	wrdreg $0x9  }
0xb1: {  	_ =	task.clear_ibuf [dreg:s7], $0x5FFFF;
	_ =	strace $0x90000046  }
0xb2: {  	s29 =	simm.s32 $0x9;
	_ =	strace $0x80000048  }
0xb3: {  	_ =	swait.ge [sflag:s29], $0x1  }
0xb4: {  	[sflag:s29] =	ssyncadd.s32 $0xFFFFFFFF  }
0xb5: {  	_ =	strace $0x90000048  }
0xb6: {  	_ =	sfence  }
0xb7: {  	s30 =	sld [smem:$0x0];
	_ =	sdelay $0x2  }
0xb8: {  	s31 =	sshll.u32 s1, $0xD;
	s1 =	sshrl.u32 s1, $0x2  }
0xb9: {  	s3 =	sand.u32 $0x4000, s31;
	s1 =	sadd.s32 s1, s30  }
0xba: {  	s0 =	sor.u32 s3, s0;
	s1 =	sshll.u32 s1, $0x11  }
0xbb: {  	s0 =	sor.u32 s1, s0  }
0xbc: {  	s0 =	sadd.s32 $0x8F2B, s0  }
0xbd: {  	[sflag:s0] =	ssyncadd.remote.s32 $0x1  }
0xbe: {  	_ =	sfence.sel $0xFFFF  }
0xbf: {  	[dreg:$0x0] =	wrdreg $0xFFFFFFFF;
	(pc) =	sbr.abs _section_cstart, $3  }
0xc0: {  	[dreg:$0x1] =	wrdreg $0xFFFFFFFF  }
0xc1: {  	_ =	task.clear_ibuf [dreg:s7], $0x2FFFF;
	_ =	strace $0x9FFFFFFF  }
0xc2: {  	(tm) =	ssettm $0x7FFFFFFF  }
0xc3: {  	_ =	shalt  }
tec
execute0_lowered:
.L_overlay_start_1:
0x0: {  	(tag) =	ssettag $0x1  }
0x1: {  	s1 =	srdreg.scid;
	s2 =	rddreg [dreg:$0x0]  }
0x2: {  	s0 =	stileid.u32;
	s5 =	rddreg [dreg:$0x1]  }
0x3: {  	s3 =	simm.s32 $0x0;
	s11 =	simm.s32 $0x0;
	s4 =	sand.u32 $0x1, s1  }
0x4: {  	s28 =	sshll.u32 s0, $0x1;
	s1 =	rddreg [dreg:$0x2];
	s7 =	smul.u32 $0x32000, s0  }
0x5: {  	[smem:$0x7FF] =	sst s3;
	s6 =	sor.u32 s4, s28;
	s10 =	smul.u32 $0x19000, s4  }
0x6: {  	s8 =	ssub.s32 $0x2, s4;
	_ =	strace $0x80000047;
	s6 =	smul.u32 $0x380, s6  }
0x7: {  	s9 =	sshrl.u32 s8, $0x1;
	s30 =	sadd.s32 s7, s5;
	s7 =	simm.s32 $0x2  }
0x8: {  	s31 =	ssub.s32 s8, s9;
	s8 =	simm.s32 $0x80;
	s9 =	simm.s32 $0x1C00  }
0x9: {  	s29 =	sadd.s32 s6, s5;
	s5 =	smax.u32 s31, $0x1;
	s6 =	sadd.s32 s10, s30  }
0xa: {  	s10 =	simm.s32 $0x1;
	s4 =	sadd.s32 $0x3000, s29;
	s6 =	sadd.s32 $0xA000, s6  }
.LBB2_1:
0xb: {  	[tilespmem:s3], [sflag:$0x2] =	stream.linear.gather [hbm4b:s4+s3], $0x1900, $0x38;
	[tilespmem:$0x5C00] =	vst v63  }
0xc: {  	_ =	swait.ge [sflag:s7], $0x1900  }
0xd: {  	[sflag:s7] =	ssyncset.done $0x0  }
0xe: {  	s12 =	simm.s32 $0x0;
	[sflag:s7] =	ssyncadd.s32 $0xFFFFE700  }
0xf: {  	[tilespmem:s9], [sflag:$0x1] =	stream.indirect.gather [hbm4b:s2+s8], $0x80, s12, s8, $0xb8;
	[tilespmem:$0x5C00] =	vst v63  }
0x10: {  	_ =	swait.ge [sflag:s10], $0x4000  }
0x11: {  	[sflag:s10] =	ssyncset.done $0x0  }
0x12: {  	[sflag:s10] =	ssyncadd.s32 $0xFFFFC000  }
0x13: {  	[hbm4b:s6+s3] =	stream.linear.scatter [tilespmem:s9], [sflag:$0x2], $0x4000, $0x38;
	[tilespmem:$0x5C00] =	vst v63  }
0x14: {  	s13 =	simm.s32 $0x200;
	_ =	swait.ge [sflag:s7], $0x4000  }
0x15: {  	s14 =	simm.s32 $0x400;
	s12 =	sadd.s32 $0x800, s6;
	[sflag:s7] =	ssyncset.done $0x0  }
.LBB2_2:
0x16: {  	s15 =	sshra.s32 s13, $0x2  }
0x17: {  	[sflag:s7] =	ssyncadd.s32 $0xFFFFC000;
	s13 =	smov.u32 s14;
	s16 =	sadd.s32 $0x200, s14  }
0x18: {  	[tilespmem:s9], [sflag:$0x1] =	stream.indirect.gather [hbm4b:s2+s8], $0x80, s15, s8, $0xb8;
	[tilespmem:$0x5C00] =	vst v63  }
0x19: {  	p0 =	sne.s32 s14, $0x6200;
	_ =	swait.ge [sflag:s10], $0x4000  }
.Ltmp0:
0x1a: {  	[sflag:s10] =	ssyncset.done $0x0;
	(pc) =	sbr.rel @p0 .LBB2_2-.Ltmp0, $4  }
0x1b: {  	[sflag:s10] =	ssyncadd.s32 $0xFFFFC000  }
0x1c: {  	[hbm4b:s12+s3] =	stream.linear.scatter [tilespmem:s9], [sflag:$0x2], $0x4000, $0x38;
	[tilespmem:$0x5C00] =	vst v63  }
0x1d: {  	_ =	swait.ge [sflag:s7], $0x4000  }
0x1e: {  	s14 =	smov.u32 s16;
	s12 =	sadd.s32 $0x800, s12;
	[sflag:s7] =	ssyncset.done $0x0  }
0x1f: {  	s13 =	sshra.s32 s13, $0x2;
	[sflag:s7] =	ssyncadd.s32 $0xFFFFC000  }
0x20: {  	[tilespmem:s9], [sflag:$0x1] =	stream.indirect.gather [hbm4b:s2+s8], $0x80, s13, s8, $0xb8;
	[tilespmem:$0x5C00] =	vst v63  }
0x21: {  	s11 =	sadd.s32 $0x1, s11;
	_ =	swait.ge [sflag:s10], $0x4000  }
0x22: {  	p0 =	sne.s32 s11, s5;
	[sflag:s10] =	ssyncset.done $0x0  }
.Ltmp1:
0x23: {  	[sflag:s10] =	ssyncadd.s32 $0xFFFFC000;
	(pc) =	sbr.rel @p0 .LBB2_1-.Ltmp1, $4  }
0x24: {  	[hbm4b:s12+s3] =	stream.linear.scatter [tilespmem:s9], [sflag:$0x2], $0x4000, $0x38;
	[tilespmem:$0x5C00] =	vst v63  }
0x25: {  	_ =	swait.ge [sflag:s7], $0x4000  }
0x26: {  	[sflag:s7] =	ssyncset.done $0x0  }
0x27: {  	[sflag:s7] =	ssyncadd.s32 $0xFFFFC000  }
0x28: {  	_ =	sfence.sel $0x180000  }
0x29: {  	[bflag:$0x0] =	sbarrier.arrive $0xFFFF  }
0x2a: {  	p0 =	sne.s32 s0, $0x0;
	_ =	strace $0x90000047  }
0x2b: {  	s0 =	sadd.s32 @!p0 $0x100000, s1;
	[bflag:$0x2] =	sbarrier.arrive $0xFFFF  }
0x2c: {  	[sflag:s0] =	ssyncadd.tile.s32 @!p0 $0x1;
	_ =	shalt  }
.Lfunc_end2:
_tile_overlayer_lowered:
.L_overlay_start_2:
0x2d: {  	(tag) =	ssettag $0x2  }
0x2e: {  	s0 =	rddreg [dreg:$0x0];
	s2 =	stileid.u32  }
0x2f: {  	s1 =	rddreg [dreg:$0x1];
	p0 =	sne.s32 s2, $0x0  }
0x30: {  	s3 =	rddreg [dreg:$0x2];
	[bflag:$0x3] =	sbarrier.arrive $0xFFFF;
	s2 =	simm.s32 @!p0 $0x1C02  }
0x31: {  	[timem:s3], [sflag:s2] =	dma.local @!p0 [hbm:s0], s1  }
0x32: {  	s0 =	simm.s32 @!p0 $0x2  }
0x33: {  	_ =	swait.ge @!p0 [sflag:s0], s1  }
0x34: {  	s1 =	ssub.s32 @!p0 $0x0, s1;
	[sflag:s0] =	ssyncset.done @!p0 $0x0  }
0x35: {  	[sflag:s0] =	ssyncadd.s32 @!p0 s1  }
0x36: {  	[bflag:$0x3] =	sbarrier.arrive $0xFFFF  }
0x37: {  	_ =	shalt  }

</sc_bundles>
